<compile_context>
chip_gen: v7x
topology: tpu7x:2x2x1
jax: 0.10.2.dev20260603
libtpu: 0.0.44.dev20260713+nightly
codegen_flags: <defaults>
</compile_context>

<pallas_src>
import jax
import jax.numpy as jnp
from jax import lax
from jax.experimental import pallas as pl
from jax.experimental.pallas import tpu as pltpu
from jax.experimental.pallas import tpu_sc as plsc

N = 320000
D = 128
S = 2048

NUM_CORES = 2
NUM_SUBCORES = 16
NUM_WORKERS = NUM_CORES * NUM_SUBCORES

CHUNK_ROWS = 128
IDX_ROWS = CHUNK_ROWS // 128
NUM_CHUNKS = N // CHUNK_ROWS
BASE_STEPS = NUM_CHUNKS // NUM_WORKERS
REMAINDER = NUM_CHUNKS - BASE_STEPS * NUM_WORKERS
MAX_STEPS = BASE_STEPS + (1 if REMAINDER else 0)
NBUF = 5
AHEAD = 3


def _sc_partials_body(nf_hbm, batch_hbm, part_hbm, rows_v, idx_v, acc, ld_sem):
    c = lax.axis_index("c")
    s = lax.axis_index("s")
    w = s * NUM_CORES + c

    n = jnp.where(w < REMAINDER, BASE_STEPS + 1, BASE_STEPS)

    def chunk_of(t):
        return jnp.where(
            t < BASE_STEPS, w + NUM_WORKERS * t, BASE_STEPS * NUM_WORKERS + w
        )

    def issue_loads(t, p):
        chunk = chunk_of(t)
        pltpu.async_copy(
            nf_hbm.at[pl.ds(chunk * CHUNK_ROWS, CHUNK_ROWS)],
            rows_v.at[p],
            ld_sem.at[p],
        )
        pltpu.async_copy(
            batch_hbm.at[pl.ds(chunk * IDX_ROWS, IDX_ROWS)],
            idx_v.at[p],
            ld_sem.at[p],
        )

    def wait_loads(p):
        pltpu.make_async_copy(
            nf_hbm.at[pl.ds(0, CHUNK_ROWS)], rows_v.at[p], ld_sem.at[p]
        ).wait()
        pltpu.make_async_copy(
            batch_hbm.at[pl.ds(0, IDX_ROWS)], idx_v.at[p], ld_sem.at[p]
        ).wait()

    def scatter(p):
        for j in range(IDX_ROWS):
            pltpu.sync_copy(
                rows_v.at[p, pl.ds(j * 128, 128)], acc.at[idx_v.at[p, j]], add=True
            )

    for t in range(AHEAD):
        issue_loads(t, t)

    def zero_row(i, _):
        for j in range(D // 16):
            rows_v[NBUF - 1, i, pl.ds(j * 16, 16)] = jnp.zeros(
                (16,), jnp.float32
            )
        return 0

    lax.fori_loop(0, 128, zero_row, 0)
    pltpu.sync_copy(
        rows_v.at[NBUF - 1, pl.ds(0, 128)], acc.at[pl.ds(s * 128, 128)]
    )
    plsc.subcore_barrier()

    def steps(i, _):
        for k in range(NBUF):
            t = NBUF * i + k

            @pl.when(t < n)
            def _():
                wait_loads(k)

                @pl.when(t + AHEAD < n)
                def _():
                    issue_loads(t + AHEAD, (k + AHEAD) % NBUF)

                scatter(k)

        return 0

    lax.fori_loop(0, (MAX_STEPS + NBUF - 1) // NBUF, steps, 0)

    plsc.subcore_barrier()
    pltpu.sync_copy(acc.at[pl.ds(s * 128, 128)], rows_v.at[0, pl.ds(0, 128)])
    pltpu.sync_copy(
        rows_v.at[0, pl.ds(0, 128)], part_hbm.at[c, pl.ds(s * 128, 128)]
    )


_sc_partials = pl.kernel(
    _sc_partials_body,
    out_type=jax.ShapeDtypeStruct((NUM_CORES, S, D), jnp.float32),
    mesh=plsc.VectorSubcoreMesh(
        core_axis_name="c", subcore_axis_name="s", num_cores=NUM_CORES
    ),
    scratch_types=[
        pltpu.VMEM((NBUF, CHUNK_ROWS, D), jnp.float32),
        pltpu.VMEM((NBUF, IDX_ROWS, 128), jnp.int32),
        pltpu.VMEM_SHARED((S, D), jnp.float32),
        pltpu.SemaphoreType.DMA((NBUF,)),
    ],
)


def _combine_body(p_ref, o_ref):
    o_ref[...] = p_ref[0] + p_ref[1]


_combine = pl.pallas_call(
    _combine_body,
    out_shape=jax.ShapeDtypeStruct((S, D), jnp.float32),
)


def kernel(node_features, batch, ptr):
    del ptr
    batch2d = batch.reshape(N // 128, 128)
    partials = _sc_partials(node_features, batch2d)
    return _combine(partials)

# --- scband reference (transcript-rebuilt; emitter-appended) ---
"""Pipeline reference for scband-atomwise-reduce-basic-8237747274342 (READ-ONLY COPY).

The authoritative reference and input builder live on the scoring server;
editing this copy changes nothing except your own understanding.
"""

import jax, jax.numpy as jnp
import numpy as np

N = 320000
D = 128
S = 2048

def setup_inputs(seed: int = 0) -> dict:
    key = jax.random.key(seed)
    k1, k2 = jax.random.split(key)
    node_features = jax.random.normal(k1, (N, D), dtype=jnp.float32)
    batch = jnp.sort(jax.random.randint(k2, (N,), 0, S).astype(jnp.int32))
    ptr = jnp.arange(S + 1, dtype=jnp.int32)
    return {"node_features": node_features, "batch": batch, "ptr": ptr}

def reference(node_features, batch, ptr):
    # AtomwiseReduceBasic with reduce='sum', no atom masking, constant=1.0:
    # result = scatter(field, batch, dim=0, dim_size=len(ptr)-1, reduce='sum')
    num_segments = ptr.shape[0] - 1
    result = jax.ops.segment_sum(node_features, batch, num_segments=num_segments)
    # module writes data[out_field] = result; return the reduced tensor
    return result

if __name__ == "__main__":
    import jax
    _d = setup_inputs()
    print(jax.jit(kernel)(*tuple(_d.values())))

</pallas_src>

<mosaic_0001>
#map = affine_map<(d0, d1) -> (0, 0)>
#map1 = affine_map<(d0, d1) -> (0, 0, 0)>
module attributes {stable_mosaic.version = 14 : i64} {
  func.func @_sc_partials_body(%arg0: i32, %arg1: i32, %arg2: memref<320000x128xf32, #tpu.memory_space<hbm>>, %arg3: memref<2500x128xi32, #tpu.memory_space<hbm>>, %arg4: memref<2x2048x128xf32, #tpu.memory_space<hbm>>, %arg5: memref<5x128x128xf32, #tpu.memory_space<vmem>>, %arg6: memref<5x1x128xi32, #tpu.memory_space<vmem>>, %arg7: memref<2048x128xf32, #tpu.memory_space<vmem_shared>>, %arg8: memref<5x!tpu.dma_semaphore, #tpu.memory_space<semaphore_mem>>) attributes {dimension_semantics = [#tpu.dimension_semantics<core_parallel>, #tpu.dimension_semantics<subcore_parallel>], iteration_bounds = array<i64: 2, 16>, scalar_prefetch = 0 : i64, scratch_operands = 4 : i64, tpu.core_type = #tpu.core_type<sc_vector_subcore>, window_params = [{transform_indices = #map}, {transform_indices = #map}, {transform_indices = #map1}]} {
    %mul3A = arith.constant 2 : i32
    %mul3A_0 = arith.muli %arg1, %mul3A : i32
    %add3A = arith.addi %mul3A_0, %arg0 : i32
    %lt3A = arith.constant 4 : i32
    %lt3A_1 = arith.cmpi slt, %add3A, %lt3A : i32
    %jit3A = arith.constant 79 : i32
    %jit3A_2 = arith.constant 78 : i32
    %select_n3A = arith.select %lt3A_1, %jit3A, %jit3A_2 : i32
    %add3A_3 = arith.constant 0 : i32
    %add3A_4 = arith.addi %add3A, %add3A_3 : i32
    %add3A_5 = arith.constant 2496 : i32
    %add3A_6 = arith.addi %add3A_5, %add3A : i32
    %jit3A_7 = arith.constant true
    %select_n3A_8 = arith.select %jit3A_7, %add3A_4, %add3A_6 : i32
    %mul3A_9 = arith.constant 128 : i32
    %mul3A_10 = arith.muli %select_n3A_8, %mul3A_9 : i32
    %dma_start3A = arith.constant 0 : i32
    %dma_start3A_11 = arith.constant 0 : i32
    %dma_start3A_12 = arith.constant 0 : i32
    %dma_start3A_13 = arith.constant 0 : i32
    %dma_start3A_14 = tpu.memref_slice %arg5[%dma_start3A, %dma_start3A_12, %dma_start3A_13] : memref<5x128x128xf32, #tpu.memory_space<vmem>> -> memref<1x128x128xf32, #tpu.memory_space<vmem>>
    %dma_start3A_15 = tpu.memref_squeeze %dma_start3A_14 : memref<1x128x128xf32, #tpu.memory_space<vmem>> -> memref<128x128xf32, #tpu.memory_space<vmem>>
    %dma_start3A_16 = arith.constant 0 : i32
    %dma_start3A_17 = tpu.memref_slice %arg2[%mul3A_10, %dma_start3A_16] : memref<320000x128xf32, #tpu.memory_space<hbm>> -> memref<128x128xf32, #tpu.memory_space<hbm>>
    %dma_start3A_18 = tpu.memref_slice %arg8[%dma_start3A_11] : memref<5x!tpu.dma_semaphore, #tpu.memory_space<semaphore_mem>> -> memref<1x!tpu.dma_semaphore, #tpu.memory_space<semaphore_mem>>
    %dma_start3A_19 = tpu.memref_squeeze %dma_start3A_18 : memref<1x!tpu.dma_semaphore, #tpu.memory_space<semaphore_mem>> -> memref<!tpu.dma_semaphore, #tpu.memory_space<semaphore_mem>>
    %dma_start3A_20 = arith.constant 0 : i32
    %dma_start3A_21 = arith.constant 0 : i32
    %dma_start3A_22 = tpu.memref_slice %arg5[%dma_start3A, %dma_start3A_20, %dma_start3A_21] : memref<5x128x128xf32, #tpu.memory_space<vmem>> -> memref<1x128x128xf32, #tpu.memory_space<vmem>>
    %dma_start3A_23 = tpu.memref_squeeze %dma_start3A_22 : memref<1x128x128xf32, #tpu.memory_space<vmem>> -> memref<128x128xf32, #tpu.memory_space<vmem>>
    %dma_start3A_24 = arith.constant 0 : i32
    %dma_start3A_25 = tpu.memref_slice %arg2[%mul3A_10, %dma_start3A_24] : memref<320000x128xf32, #tpu.memory_space<hbm>> -> memref<128x128xf32, #tpu.memory_space<hbm>>
    tpu.enqueue_dma source(%dma_start3A_25 : memref<128x128xf32, #tpu.memory_space<hbm>>) target(%dma_start3A_23 : memref<128x128xf32, #tpu.memory_space<vmem>>) target_semaphore(%dma_start3A_19 : memref<!tpu.dma_semaphore, #tpu.memory_space<semaphore_mem>>)
    %mul3A_26 = arith.constant 1 : i32
    %mul3A_27 = arith.muli %select_n3A_8, %mul3A_26 : i32
    %dma_start3A_28 = arith.constant 0 : i32
    %dma_start3A_29 = arith.constant 0 : i32
    %dma_start3A_30 = arith.constant 0 : i32
    %dma_start3A_31 = arith.constant 0 : i32
    %dma_start3A_32 = tpu.memref_slice %arg6[%dma_start3A_28, %dma_start3A_30, %dma_start3A_31] : memref<5x1x128xi32, #tpu.memory_space<vmem>> -> memref<1x1x128xi32, #tpu.memory_space<vmem>>
    %dma_start3A_33 = tpu.memref_squeeze %dma_start3A_32 : memref<1x1x128xi32, #tpu.memory_space<vmem>> -> memref<1x128xi32, #tpu.memory_space<vmem>>
    %dma_start3A_34 = arith.constant 0 : i32
    %dma_start3A_35 = tpu.memref_slice %arg3[%mul3A_27, %dma_start3A_34] : memref<2500x128xi32, #tpu.memory_space<hbm>> -> memref<1x128xi32, #tpu.memory_space<hbm>>
    %dma_start3A_36 = tpu.memref_slice %arg8[%dma_start3A_29] : memref<5x!tpu.dma_semaphore, #tpu.memory_space<semaphore_mem>> -> memref<1x!tpu.dma_semaphore, #tpu.memory_space<semaphore_mem>>
    %dma_start3A_37 = tpu.memref_squeeze %dma_start3A_36 : memref<1x!tpu.dma_semaphore, #tpu.memory_space<semaphore_mem>> -> memref<!tpu.dma_semaphore, #tpu.memory_space<semaphore_mem>>
    %dma_start3A_38 = arith.constant 0 : i32
    %dma_start3A_39 = arith.constant 0 : i32
    %dma_start3A_40 = tpu.memref_slice %arg6[%dma_start3A_28, %dma_start3A_38, %dma_start3A_39] : memref<5x1x128xi32, #tpu.memory_space<vmem>> -> memref<1x1x128xi32, #tpu.memory_space<vmem>>
    %dma_start3A_41 = tpu.memref_squeeze %dma_start3A_40 : memref<1x1x128xi32, #tpu.memory_space<vmem>> -> memref<1x128xi32, #tpu.memory_space<vmem>>
    %dma_start3A_42 = arith.constant 0 : i32
    %dma_start3A_43 = tpu.memref_slice %arg3[%mul3A_27, %dma_start3A_42] : memref<2500x128xi32, #tpu.memory_space<hbm>> -> memref<1x128xi32, #tpu.memory_space<hbm>>
    tpu.enqueue_dma source(%dma_start3A_43 : memref<1x128xi32, #tpu.memory_space<hbm>>) target(%dma_start3A_41 : memref<1x128xi32, #tpu.memory_space<vmem>>) target_semaphore(%dma_start3A_37 : memref<!tpu.dma_semaphore, #tpu.memory_space<semaphore_mem>>)
    %add3A_44 = arith.constant 32 : i32
    %add3A_45 = arith.addi %add3A, %add3A_44 : i32
    %add3A_46 = arith.constant 2496 : i32
    %add3A_47 = arith.addi %add3A_46, %add3A : i32
    %jit3A_48 = arith.constant true
    %select_n3A_49 = arith.select %jit3A_48, %add3A_45, %add3A_47 : i32
    %mul3A_50 = arith.constant 128 : i32
    %mul3A_51 = arith.muli %select_n3A_49, %mul3A_50 : i32
    %dma_start3A_52 = arith.constant 1 : i32
    %dma_start3A_53 = arith.constant 1 : i32
    %dma_start3A_54 = arith.constant 0 : i32
    %dma_start3A_55 = arith.constant 0 : i32
    %dma_start3A_56 = tpu.memref_slice %arg5[%dma_start3A_52, %dma_start3A_54, %dma_start3A_55] : memref<5x128x128xf32, #tpu.memory_space<vmem>> -> memref<1x128x128xf32, #tpu.memory_space<vmem>>
    %dma_start3A_57 = tpu.memref_squeeze %dma_start3A_56 : memref<1x128x128xf32, #tpu.memory_space<vmem>> -> memref<128x128xf32, #tpu.memory_space<vmem>>
    %dma_start3A_58 = arith.constant 0 : i32
    %dma_start3A_59 = tpu.memref_slice %arg2[%mul3A_51, %dma_start3A_58] : memref<320000x128xf32, #tpu.memory_space<hbm>> -> memref<128x128xf32, #tpu.memory_space<hbm>>
    %dma_start3A_60 = tpu.memref_slice %arg8[%dma_start3A_53] : memref<5x!tpu.dma_semaphore, #tpu.memory_space<semaphore_mem>> -> memref<1x!tpu.dma_semaphore, #tpu.memory_space<semaphore_mem>>
    %dma_start3A_61 = tpu.memref_squeeze %dma_start3A_60 : memref<1x!tpu.dma_semaphore, #tpu.memory_space<semaphore_mem>> -> memref<!tpu.dma_semaphore, #tpu.memory_space<semaphore_mem>>
    %dma_start3A_62 = arith.constant 0 : i32
    %dma_start3A_63 = arith.constant 0 : i32
    %dma_start3A_64 = tpu.memref_slice %arg5[%dma_start3A_52, %dma_start3A_62, %dma_start3A_63] : memref<5x128x128xf32, #tpu.memory_space<vmem>> -> memref<1x128x128xf32, #tpu.memory_space<vmem>>
    %dma_start3A_65 = tpu.memref_squeeze %dma_start3A_64 : memref<1x128x128xf32, #tpu.memory_space<vmem>> -> memref<128x128xf32, #tpu.memory_space<vmem>>
    %dma_start3A_66 = arith.constant 0 : i32
    %dma_start3A_67 = tpu.memref_slice %arg2[%mul3A_51, %dma_start3A_66] : memref<320000x128xf32, #tpu.memory_space<hbm>> -> memref<128x128xf32, #tpu.memory_space<hbm>>
    tpu.enqueue_dma source(%dma_start3A_67 : memref<128x128xf32, #tpu.memory_space<hbm>>) target(%dma_start3A_65 : memref<128x128xf32, #tpu.memory_space<vmem>>) target_semaphore(%dma_start3A_61 : memref<!tpu.dma_semaphore, #tpu.memory_space<semaphore_mem>>)
    %mul3A_68 = arith.constant 1 : i32
    %mul3A_69 = arith.muli %select_n3A_49, %mul3A_68 : i32
    %dma_start3A_70 = arith.constant 1 : i32
    %dma_start3A_71 = arith.constant 1 : i32
    %dma_start3A_72 = arith.constant 0 : i32
    %dma_start3A_73 = arith.constant 0 : i32
    %dma_start3A_74 = tpu.memref_slice %arg6[%dma_start3A_70, %dma_start3A_72, %dma_start3A_73] : memref<5x1x128xi32, #tpu.memory_space<vmem>> -> memref<1x1x128xi32, #tpu.memory_space<vmem>>
    %dma_start3A_75 = tpu.memref_squeeze %dma_start3A_74 : memref<1x1x128xi32, #tpu.memory_space<vmem>> -> memref<1x128xi32, #tpu.memory_space<vmem>>
    %dma_start3A_76 = arith.constant 0 : i32
    %dma_start3A_77 = tpu.memref_slice %arg3[%mul3A_69, %dma_start3A_76] : memref<2500x128xi32, #tpu.memory_space<hbm>> -> memref<1x128xi32, #tpu.memory_space<hbm>>
    %dma_start3A_78 = tpu.memref_slice %arg8[%dma_start3A_71] : memref<5x!tpu.dma_semaphore, #tpu.memory_space<semaphore_mem>> -> memref<1x!tpu.dma_semaphore, #tpu.memory_space<semaphore_mem>>
    %dma_start3A_79 = tpu.memref_squeeze %dma_start3A_78 : memref<1x!tpu.dma_semaphore, #tpu.memory_space<semaphore_mem>> -> memref<!tpu.dma_semaphore, #tpu.memory_space<semaphore_mem>>
    %dma_start3A_80 = arith.constant 0 : i32
    %dma_start3A_81 = arith.constant 0 : i32
    %dma_start3A_82 = tpu.memref_slice %arg6[%dma_start3A_70, %dma_start3A_80, %dma_start3A_81] : memref<5x1x128xi32, #tpu.memory_space<vmem>> -> memref<1x1x128xi32, #tpu.memory_space<vmem>>
    %dma_start3A_83 = tpu.memref_squeeze %dma_start3A_82 : memref<1x1x128xi32, #tpu.memory_space<vmem>> -> memref<1x128xi32, #tpu.memory_space<vmem>>
    %dma_start3A_84 = arith.constant 0 : i32
    %dma_start3A_85 = tpu.memref_slice %arg3[%mul3A_69, %dma_start3A_84] : memref<2500x128xi32, #tpu.memory_space<hbm>> -> memref<1x128xi32, #tpu.memory_space<hbm>>
    tpu.enqueue_dma source(%dma_start3A_85 : memref<1x128xi32, #tpu.memory_space<hbm>>) target(%dma_start3A_83 : memref<1x128xi32, #tpu.memory_space<vmem>>) target_semaphore(%dma_start3A_79 : memref<!tpu.dma_semaphore, #tpu.memory_space<semaphore_mem>>)
    %add3A_86 = arith.constant 64 : i32
    %add3A_87 = arith.addi %add3A, %add3A_86 : i32
    %add3A_88 = arith.constant 2496 : i32
    %add3A_89 = arith.addi %add3A_88, %add3A : i32
    %jit3A_90 = arith.constant true
    %select_n3A_91 = arith.select %jit3A_90, %add3A_87, %add3A_89 : i32
    %mul3A_92 = arith.constant 128 : i32
    %mul3A_93 = arith.muli %select_n3A_91, %mul3A_92 : i32
    %dma_start3A_94 = arith.constant 2 : i32
    %dma_start3A_95 = arith.constant 2 : i32
    %dma_start3A_96 = arith.constant 0 : i32
    %dma_start3A_97 = arith.constant 0 : i32
    %dma_start3A_98 = tpu.memref_slice %arg5[%dma_start3A_94, %dma_start3A_96, %dma_start3A_97] : memref<5x128x128xf32, #tpu.memory_space<vmem>> -> memref<1x128x128xf32, #tpu.memory_space<vmem>>
    %dma_start3A_99 = tpu.memref_squeeze %dma_start3A_98 : memref<1x128x128xf32, #tpu.memory_space<vmem>> -> memref<128x128xf32, #tpu.memory_space<vmem>>
    %dma_start3A_100 = arith.constant 0 : i32
    %dma_start3A_101 = tpu.memref_slice %arg2[%mul3A_93, %dma_start3A_100] : memref<320000x128xf32, #tpu.memory_space<hbm>> -> memref<128x128xf32, #tpu.memory_space<hbm>>
    %dma_start3A_102 = tpu.memref_slice %arg8[%dma_start3A_95] : memref<5x!tpu.dma_semaphore, #tpu.memory_space<semaphore_mem>> -> memref<1x!tpu.dma_semaphore, #tpu.memory_space<semaphore_mem>>
    %dma_start3A_103 = tpu.memref_squeeze %dma_start3A_102 : memref<1x!tpu.dma_semaphore, #tpu.memory_space<semaphore_mem>> -> memref<!tpu.dma_semaphore, #tpu.memory_space<semaphore_mem>>
    %dma_start3A_104 = arith.constant 0 : i32
    %dma_start3A_105 = arith.constant 0 : i32
    %dma_start3A_106 = tpu.memref_slice %arg5[%dma_start3A_94, %dma_start3A_104, %dma_start3A_105] : memref<5x128x128xf32, #tpu.memory_space<vmem>> -> memref<1x128x128xf32, #tpu.memory_space<vmem>>
    %dma_start3A_107 = tpu.memref_squeeze %dma_start3A_106 : memref<1x128x128xf32, #tpu.memory_space<vmem>> -> memref<128x128xf32, #tpu.memory_space<vmem>>
    %dma_start3A_108 = arith.constant 0 : i32
    %dma_start3A_109 = tpu.memref_slice %arg2[%mul3A_93, %dma_start3A_108] : memref<320000x128xf32, #tpu.memory_space<hbm>> -> memref<128x128xf32, #tpu.memory_space<hbm>>
    tpu.enqueue_dma source(%dma_start3A_109 : memref<128x128xf32, #tpu.memory_space<hbm>>) target(%dma_start3A_107 : memref<128x128xf32, #tpu.memory_space<vmem>>) target_semaphore(%dma_start3A_103 : memref<!tpu.dma_semaphore, #tpu.memory_space<semaphore_mem>>)
    %mul3A_110 = arith.constant 1 : i32
    %mul3A_111 = arith.muli %select_n3A_91, %mul3A_110 : i32
    %dma_start3A_112 = arith.constant 2 : i32
    %dma_start3A_113 = arith.constant 2 : i32
    %dma_start3A_114 = arith.constant 0 : i32
    %dma_start3A_115 = arith.constant 0 : i32
    %dma_start3A_116 = tpu.memref_slice %arg6[%dma_start3A_112, %dma_start3A_114, %dma_start3A_115] : memref<5x1x128xi32, #tpu.memory_space<vmem>> -> memref<1x1x128xi32, #tpu.memory_space<vmem>>
    %dma_start3A_117 = tpu.memref_squeeze %dma_start3A_116 : memref<1x1x128xi32, #tpu.memory_space<vmem>> -> memref<1x128xi32, #tpu.memory_space<vmem>>
    %dma_start3A_118 = arith.constant 0 : i32
    %dma_start3A_119 = tpu.memref_slice %arg3[%mul3A_111, %dma_start3A_118] : memref<2500x128xi32, #tpu.memory_space<hbm>> -> memref<1x128xi32, #tpu.memory_space<hbm>>
    %dma_start3A_120 = tpu.memref_slice %arg8[%dma_start3A_113] : memref<5x!tpu.dma_semaphore, #tpu.memory_space<semaphore_mem>> -> memref<1x!tpu.dma_semaphore, #tpu.memory_space<semaphore_mem>>
    %dma_start3A_121 = tpu.memref_squeeze %dma_start3A_120 : memref<1x!tpu.dma_semaphore, #tpu.memory_space<semaphore_mem>> -> memref<!tpu.dma_semaphore, #tpu.memory_space<semaphore_mem>>
    %dma_start3A_122 = arith.constant 0 : i32
    %dma_start3A_123 = arith.constant 0 : i32
    %dma_start3A_124 = tpu.memref_slice %arg6[%dma_start3A_112, %dma_start3A_122, %dma_start3A_123] : memref<5x1x128xi32, #tpu.memory_space<vmem>> -> memref<1x1x128xi32, #tpu.memory_space<vmem>>
    %dma_start3A_125 = tpu.memref_squeeze %dma_start3A_124 : memref<1x1x128xi32, #tpu.memory_space<vmem>> -> memref<1x128xi32, #tpu.memory_space<vmem>>
    %dma_start3A_126 = arith.constant 0 : i32
    %dma_start3A_127 = tpu.memref_slice %arg3[%mul3A_111, %dma_start3A_126] : memref<2500x128xi32, #tpu.memory_space<hbm>> -> memref<1x128xi32, #tpu.memory_space<hbm>>
    tpu.enqueue_dma source(%dma_start3A_127 : memref<1x128xi32, #tpu.memory_space<hbm>>) target(%dma_start3A_125 : memref<1x128xi32, #tpu.memory_space<vmem>>) target_semaphore(%dma_start3A_121 : memref<!tpu.dma_semaphore, #tpu.memory_space<semaphore_mem>>)
    %scan3A = arith.constant 0 : i32
    %scan3A_128 = arith.constant 0 : i32
    %scan3A_129 = arith.constant 128 : i32
    %scan3A_130 = arith.addi %scan3A_128, %scan3A_129 : i32
    %scan3A_131 = arith.constant 1 : i32
    %scan3A_132 = scf.for %scan3A_150 = %scan3A_128 to %scan3A_130 step %scan3A_131 iter_args(%scan3A_151 = %scan3A) -> (i32)  : i32 {
      %broadcast_in_dim3A = arith.constant 0.000000e+00 : f32
      %broadcast_in_dim3A_152 = vector.broadcast %broadcast_in_dim3A : f32 to vector<16xf32>
      %swap3A = arith.constant 4 : i32
      %swap3A_153 = arith.index_cast %swap3A : i32 to index
      %swap3A_154 = arith.index_cast %scan3A_150 : i32 to index
      %swap3A_155 = arith.constant 0 : index
      %swap3A_156 = tpu.vector_load %arg5[%swap3A_153, %swap3A_154, %swap3A_155] {strides = array<i32>} : memref<5x128x128xf32, #tpu.memory_space<vmem>>, vector<1x1x16xf32>,
      %swap3A_157 = vector.shape_cast %swap3A_156 : vector<1x1x16xf32> to vector<16xf32>
      %swap3A_158 = vector.shape_cast %broadcast_in_dim3A_152 : vector<16xf32> to vector<1x1x16xf32>
      tpu.vector_store %arg5[%swap3A_153, %swap3A_154, %swap3A_155], %swap3A_158 {strides = array<i32>} : memref<5x128x128xf32, #tpu.memory_space<vmem>>, vector<1x1x16xf32>,
      %broadcast_in_dim3A_159 = arith.constant 0.000000e+00 : f32
      %broadcast_in_dim3A_160 = vector.broadcast %broadcast_in_dim3A_159 : f32 to vector<16xf32>
      %swap3A_161 = arith.constant 4 : i32
      %swap3A_162 = arith.index_cast %swap3A_161 : i32 to index
      %swap3A_163 = arith.index_cast %scan3A_150 : i32 to index
      %swap3A_164 = arith.constant 16 : index
      %swap3A_165 = tpu.vector_load %arg5[%swap3A_162, %swap3A_163, %swap3A_164] {strides = array<i32>} : memref<5x128x128xf32, #tpu.memory_space<vmem>>, vector<1x1x16xf32>,
      %swap3A_166 = vector.shape_cast %swap3A_165 : vector<1x1x16xf32> to vector<16xf32>
      %swap3A_167 = vector.shape_cast %broadcast_in_dim3A_160 : vector<16xf32> to vector<1x1x16xf32>
      tpu.vector_store %arg5[%swap3A_162, %swap3A_163, %swap3A_164], %swap3A_167 {strides = array<i32>} : memref<5x128x128xf32, #tpu.memory_space<vmem>>, vector<1x1x16xf32>,
      %broadcast_in_dim3A_168 = arith.constant 0.000000e+00 : f32
      %broadcast_in_dim3A_169 = vector.broadcast %broadcast_in_dim3A_168 : f32 to vector<16xf32>
      %swap3A_170 = arith.constant 4 : i32
      %swap3A_171 = arith.index_cast %swap3A_170 : i32 to index
      %swap3A_172 = arith.index_cast %scan3A_150 : i32 to index
      %swap3A_173 = arith.constant 32 : index
      %swap3A_174 = tpu.vector_load %arg5[%swap3A_171, %swap3A_172, %swap3A_173] {strides = array<i32>} : memref<5x128x128xf32, #tpu.memory_space<vmem>>, vector<1x1x16xf32>,
      %swap3A_175 = vector.shape_cast %swap3A_174 : vector<1x1x16xf32> to vector<16xf32>
      %swap3A_176 = vector.shape_cast %broadcast_in_dim3A_169 : vector<16xf32> to vector<1x1x16xf32>
      tpu.vector_store %arg5[%swap3A_171, %swap3A_172, %swap3A_173], %swap3A_176 {strides = array<i32>} : memref<5x128x128xf32, #tpu.memory_space<vmem>>, vector<1x1x16xf32>,
      %broadcast_in_dim3A_177 = arith.constant 0.000000e+00 : f32
      %broadcast_in_dim3A_178 = vector.broadcast %broadcast_in_dim3A_177 : f32 to vector<16xf32>
      %swap3A_179 = arith.constant 4 : i32
      %swap3A_180 = arith.index_cast %swap3A_179 : i32 to index
      %swap3A_181 = arith.index_cast %scan3A_150 : i32 to index
      %swap3A_182 = arith.constant 48 : index
      %swap3A_183 = tpu.vector_load %arg5[%swap3A_180, %swap3A_181, %swap3A_182] {strides = array<i32>} : memref<5x128x128xf32, #tpu.memory_space<vmem>>, vector<1x1x16xf32>,
      %swap3A_184 = vector.shape_cast %swap3A_183 : vector<1x1x16xf32> to vector<16xf32>
      %swap3A_185 = vector.shape_cast %broadcast_in_dim3A_178 : vector<16xf32> to vector<1x1x16xf32>
      tpu.vector_store %arg5[%swap3A_180, %swap3A_181, %swap3A_182], %swap3A_185 {strides = array<i32>} : memref<5x128x128xf32, #tpu.memory_space<vmem>>, vector<1x1x16xf32>,
      %broadcast_in_dim3A_186 = arith.constant 0.000000e+00 : f32
      %broadcast_in_dim3A_187 = vector.broadcast %broadcast_in_dim3A_186 : f32 to vector<16xf32>
      %swap3A_188 = arith.constant 4 : i32
      %swap3A_189 = arith.index_cast %swap3A_188 : i32 to index
      %swap3A_190 = arith.index_cast %scan3A_150 : i32 to index
      %swap3A_191 = arith.constant 64 : index
      %swap3A_192 = tpu.vector_load %arg5[%swap3A_189, %swap3A_190, %swap3A_191] {strides = array<i32>} : memref<5x128x128xf32, #tpu.memory_space<vmem>>, vector<1x1x16xf32>,
      %swap3A_193 = vector.shape_cast %swap3A_192 : vector<1x1x16xf32> to vector<16xf32>
      %swap3A_194 = vector.shape_cast %broadcast_in_dim3A_187 : vector<16xf32> to vector<1x1x16xf32>
      tpu.vector_store %arg5[%swap3A_189, %swap3A_190, %swap3A_191], %swap3A_194 {strides = array<i32>} : memref<5x128x128xf32, #tpu.memory_space<vmem>>, vector<1x1x16xf32>,
      %broadcast_in_dim3A_195 = arith.constant 0.000000e+00 : f32
      %broadcast_in_dim3A_196 = vector.broadcast %broadcast_in_dim3A_195 : f32 to vector<16xf32>
      %swap3A_197 = arith.constant 4 : i32
      %swap3A_198 = arith.index_cast %swap3A_197 : i32 to index
      %swap3A_199 = arith.index_cast %scan3A_150 : i32 to index
      %swap3A_200 = arith.constant 80 : index
      %swap3A_201 = tpu.vector_load %arg5[%swap3A_198, %swap3A_199, %swap3A_200] {strides = array<i32>} : memref<5x128x128xf32, #tpu.memory_space<vmem>>, vector<1x1x16xf32>,
      %swap3A_202 = vector.shape_cast %swap3A_201 : vector<1x1x16xf32> to vector<16xf32>
      %swap3A_203 = vector.shape_cast %broadcast_in_dim3A_196 : vector<16xf32> to vector<1x1x16xf32>
      tpu.vector_store %arg5[%swap3A_198, %swap3A_199, %swap3A_200], %swap3A_203 {strides = array<i32>} : memref<5x128x128xf32, #tpu.memory_space<vmem>>, vector<1x1x16xf32>,
      %broadcast_in_dim3A_204 = arith.constant 0.000000e+00 : f32
      %broadcast_in_dim3A_205 = vector.broadcast %broadcast_in_dim3A_204 : f32 to vector<16xf32>
      %swap3A_206 = arith.constant 4 : i32
      %swap3A_207 = arith.index_cast %swap3A_206 : i32 to index
      %swap3A_208 = arith.index_cast %scan3A_150 : i32 to index
      %swap3A_209 = arith.constant 96 : index
      %swap3A_210 = tpu.vector_load %arg5[%swap3A_207, %swap3A_208, %swap3A_209] {strides = array<i32>} : memref<5x128x128xf32, #tpu.memory_space<vmem>>, vector<1x1x16xf32>,
      %swap3A_211 = vector.shape_cast %swap3A_210 : vector<1x1x16xf32> to vector<16xf32>
      %swap3A_212 = vector.shape_cast %broadcast_in_dim3A_205 : vector<16xf32> to vector<1x1x16xf32>
      tpu.vector_store %arg5[%swap3A_207, %swap3A_208, %swap3A_209], %swap3A_212 {strides = array<i32>} : memref<5x128x128xf32, #tpu.memory_space<vmem>>, vector<1x1x16xf32>,
      %broadcast_in_dim3A_213 = arith.constant 0.000000e+00 : f32
      %broadcast_in_dim3A_214 = vector.broadcast %broadcast_in_dim3A_213 : f32 to vector<16xf32>
      %swap3A_215 = arith.constant 4 : i32
      %swap3A_216 = arith.index_cast %swap3A_215 : i32 to index
      %swap3A_217 = arith.index_cast %scan3A_150 : i32 to index
      %swap3A_218 = arith.constant 112 : index
      %swap3A_219 = tpu.vector_load %arg5[%swap3A_216, %swap3A_217, %swap3A_218] {strides = array<i32>} : memref<5x128x128xf32, #tpu.memory_space<vmem>>, vector<1x1x16xf32>,
      %swap3A_220 = vector.shape_cast %swap3A_219 : vector<1x1x16xf32> to vector<16xf32>
      %swap3A_221 = vector.shape_cast %broadcast_in_dim3A_214 : vector<16xf32> to vector<1x1x16xf32>
      tpu.vector_store %arg5[%swap3A_216, %swap3A_217, %swap3A_218], %swap3A_221 {strides = array<i32>} : memref<5x128x128xf32, #tpu.memory_space<vmem>>, vector<1x1x16xf32>,
      %scan3A_222 = arith.constant 0 : i32
      scf.yield %scan3A_222 : i32
    }
    %scan3A_133 = arith.constant 128 : i32
    %mul3A_134 = arith.constant 128 : i32
    %mul3A_135 = arith.muli %arg1, %mul3A_134 : i32
    %run_scoped3A = arith.constant 4 : i32
    "tpu.region"() ({
      %run_scoped3A_150 = tpu.sem_alloc : memref<!tpu.dma_semaphore, #tpu.memory_space<semaphore_mem>>
      %dma_start3A_151 = arith.constant 0 : i32
      %dma_start3A_152 = arith.constant 0 : i32
      %dma_start3A_153 = tpu.memref_slice %arg5[%run_scoped3A, %dma_start3A_151, %dma_start3A_152] : memref<5x128x128xf32, #tpu.memory_space<vmem>> -> memref<1x128x128xf32, #tpu.memory_space<vmem>>
      %dma_start3A_154 = tpu.memref_squeeze %dma_start3A_153 : memref<1x128x128xf32, #tpu.memory_space<vmem>> -> memref<128x128xf32, #tpu.memory_space<vmem>>
      %dma_start3A_155 = arith.constant 0 : i32
      %dma_start3A_156 = tpu.memref_slice %arg7[%mul3A_135, %dma_start3A_155] : memref<2048x128xf32, #tpu.memory_space<vmem_shared>> -> memref<128x128xf32, #tpu.memory_space<vmem_shared>>
      %dma_start3A_157 = arith.constant 0 : i32
      %dma_start3A_158 = tpu.memref_slice %arg7[%mul3A_135, %dma_start3A_157] : memref<2048x128xf32, #tpu.memory_space<vmem_shared>> -> memref<128x128xf32, #tpu.memory_space<vmem_shared>>
      %dma_start3A_159 = arith.constant 0 : i32
      %dma_start3A_160 = arith.constant 0 : i32
      %dma_start3A_161 = tpu.memref_slice %arg5[%run_scoped3A, %dma_start3A_159, %dma_start3A_160] : memref<5x128x128xf32, #tpu.memory_space<vmem>> -> memref<1x128x128xf32, #tpu.memory_space<vmem>>
      %dma_start3A_162 = tpu.memref_squeeze %dma_start3A_161 : memref<1x128x128xf32, #tpu.memory_space<vmem>> -> memref<128x128xf32, #tpu.memory_space<vmem>>
      tpu.enqueue_dma source(%dma_start3A_162 : memref<128x128xf32, #tpu.memory_space<vmem>>) target(%dma_start3A_158 : memref<128x128xf32, #tpu.memory_space<vmem_shared>>) target_semaphore(%run_scoped3A_150 : memref<!tpu.dma_semaphore, #tpu.memory_space<semaphore_mem>>)
      %dma_wait3A = arith.constant 0 : i32
      %dma_wait3A_163 = arith.constant 0 : i32
      %dma_wait3A_164 = tpu.memref_slice %arg5[%run_scoped3A, %dma_wait3A, %dma_wait3A_163] : memref<5x128x128xf32, #tpu.memory_space<vmem>> -> memref<1x128x128xf32, #tpu.memory_space<vmem>>
      %dma_wait3A_165 = tpu.memref_squeeze %dma_wait3A_164 : memref<1x128x128xf32, #tpu.memory_space<vmem>> -> memref<128x128xf32, #tpu.memory_space<vmem>>
      %dma_wait3A_166 = arith.constant 0 : i32
      %dma_wait3A_167 = tpu.memref_slice %arg7[%mul3A_135, %dma_wait3A_166] : memref<2048x128xf32, #tpu.memory_space<vmem_shared>> -> memref<128x128xf32, #tpu.memory_space<vmem_shared>>
      %dma_wait3A_168 = arith.constant 0 : i32
      %dma_wait3A_169 = tpu.memref_slice %arg7[%mul3A_135, %dma_wait3A_168] : memref<2048x128xf32, #tpu.memory_space<vmem_shared>> -> memref<128x128xf32, #tpu.memory_space<vmem_shared>>
      %dma_wait3A_170 = arith.constant 0 : i32
      %dma_wait3A_171 = arith.constant 0 : i32
      %dma_wait3A_172 = tpu.memref_slice %arg5[%run_scoped3A, %dma_wait3A_170, %dma_wait3A_171] : memref<5x128x128xf32, #tpu.memory_space<vmem>> -> memref<1x128x128xf32, #tpu.memory_space<vmem>>
      %dma_wait3A_173 = tpu.memref_squeeze %dma_wait3A_172 : memref<1x128x128xf32, #tpu.memory_space<vmem>> -> memref<128x128xf32, #tpu.memory_space<vmem>>
      tpu.wait_dma2 semaphore(%run_scoped3A_150 : memref<!tpu.dma_semaphore, #tpu.memory_space<semaphore_mem>>) src(%dma_wait3A_173 : memref<128x128xf32, #tpu.memory_space<vmem>>) dst(%dma_wait3A_169 : memref<128x128xf32, #tpu.memory_space<vmem_shared>>)
      tpu.yield
    }) : () -> ()
    %barrier3A = arith.constant 0 : index
    tpu.barrier barrier_id(%barrier3A)
    %scan3A_136 = arith.constant 0 : i32
    %scan3A_137 = arith.constant 0 : i32
    %scan3A_138 = arith.constant 16 : i32
    %scan3A_139 = arith.addi %scan3A_137, %scan3A_138 : i32
    %scan3A_140 = arith.constant 1 : i32
    %scan3A_141 = scf.for %scan3A_150 = %scan3A_137 to %scan3A_139 step %scan3A_140 iter_args(%scan3A_151 = %scan3A_136) -> (i32)  : i32 {
      %mul3A_152 = arith.constant 5 : i32
      %mul3A_153 = arith.muli %mul3A_152, %scan3A_150 : i32
      %add3A_154 = arith.constant 0 : i32
      %add3A_155 = arith.addi %mul3A_153, %add3A_154 : i32
      %lt3A_156 = arith.cmpi slt, %add3A_155, %select_n3A : i32
      %convert_element_type3A = arith.extui %lt3A_156 : i1 to i32
      %cond3A = arith.constant 0 : i32
      %cond3A_157 = arith.cmpi ne, %convert_element_type3A, %cond3A : i32
      scf.if %cond3A_157 {
        %dma_wait3A = arith.constant 0 : i32
        %dma_wait3A_191 = arith.constant 0 : i32
        %dma_wait3A_192 = arith.constant 0 : i32
        %dma_wait3A_193 = arith.constant 0 : i32
        %dma_wait3A_194 = tpu.memref_slice %arg5[%dma_wait3A, %dma_wait3A_192, %dma_wait3A_193] : memref<5x128x128xf32, #tpu.memory_space<vmem>> -> memref<1x128x128xf32, #tpu.memory_space<vmem>>
        %dma_wait3A_195 = tpu.memref_squeeze %dma_wait3A_194 : memref<1x128x128xf32, #tpu.memory_space<vmem>> -> memref<128x128xf32, #tpu.memory_space<vmem>>
        %dma_wait3A_196 = arith.constant 0 : i32
        %dma_wait3A_197 = arith.constant 0 : i32
        %dma_wait3A_198 = tpu.memref_slice %arg2[%dma_wait3A_196, %dma_wait3A_197] : memref<320000x128xf32, #tpu.memory_space<hbm>> -> memref<128x128xf32, #tpu.memory_space<hbm>>
        %dma_wait3A_199 = tpu.memref_slice %arg8[%dma_wait3A_191] : memref<5x!tpu.dma_semaphore, #tpu.memory_space<semaphore_mem>> -> memref<1x!tpu.dma_semaphore, #tpu.memory_space<semaphore_mem>>
        %dma_wait3A_200 = tpu.memref_squeeze %dma_wait3A_199 : memref<1x!tpu.dma_semaphore, #tpu.memory_space<semaphore_mem>> -> memref<!tpu.dma_semaphore, #tpu.memory_space<semaphore_mem>>
        %dma_wait3A_201 = arith.constant 0 : i32
        %dma_wait3A_202 = arith.constant 0 : i32
        %dma_wait3A_203 = tpu.memref_slice %arg5[%dma_wait3A, %dma_wait3A_201, %dma_wait3A_202] : memref<5x128x128xf32, #tpu.memory_space<vmem>> -> memref<1x128x128xf32, #tpu.memory_space<vmem>>
        %dma_wait3A_204 = tpu.memref_squeeze %dma_wait3A_203 : memref<1x128x128xf32, #tpu.memory_space<vmem>> -> memref<128x128xf32, #tpu.memory_space<vmem>>
        %dma_wait3A_205 = arith.constant 0 : i32
        %dma_wait3A_206 = arith.constant 0 : i32
        %dma_wait3A_207 = tpu.memref_slice %arg2[%dma_wait3A_205, %dma_wait3A_206] : memref<320000x128xf32, #tpu.memory_space<hbm>> -> memref<128x128xf32, #tpu.memory_space<hbm>>
        tpu.wait_dma2 semaphore(%dma_wait3A_200 : memref<!tpu.dma_semaphore, #tpu.memory_space<semaphore_mem>>) src(%dma_wait3A_207 : memref<128x128xf32, #tpu.memory_space<hbm>>) dst(%dma_wait3A_204 : memref<128x128xf32, #tpu.memory_space<vmem>>)
        %dma_wait3A_208 = arith.constant 0 : i32
        %dma_wait3A_209 = arith.constant 0 : i32
        %dma_wait3A_210 = arith.constant 0 : i32
        %dma_wait3A_211 = arith.constant 0 : i32
        %dma_wait3A_212 = tpu.memref_slice %arg6[%dma_wait3A_208, %dma_wait3A_210, %dma_wait3A_211] : memref<5x1x128xi32, #tpu.memory_space<vmem>> -> memref<1x1x128xi32, #tpu.memory_space<vmem>>
        %dma_wait3A_213 = tpu.memref_squeeze %dma_wait3A_212 : memref<1x1x128xi32, #tpu.memory_space<vmem>> -> memref<1x128xi32, #tpu.memory_space<vmem>>
        %dma_wait3A_214 = arith.constant 0 : i32
        %dma_wait3A_215 = arith.constant 0 : i32
        %dma_wait3A_216 = tpu.memref_slice %arg3[%dma_wait3A_214, %dma_wait3A_215] : memref<2500x128xi32, #tpu.memory_space<hbm>> -> memref<1x128xi32, #tpu.memory_space<hbm>>
        %dma_wait3A_217 = tpu.memref_slice %arg8[%dma_wait3A_209] : memref<5x!tpu.dma_semaphore, #tpu.memory_space<semaphore_mem>> -> memref<1x!tpu.dma_semaphore, #tpu.memory_space<semaphore_mem>>
        %dma_wait3A_218 = tpu.memref_squeeze %dma_wait3A_217 : memref<1x!tpu.dma_semaphore, #tpu.memory_space<semaphore_mem>> -> memref<!tpu.dma_semaphore, #tpu.memory_space<semaphore_mem>>
        %dma_wait3A_219 = arith.constant 0 : i32
        %dma_wait3A_220 = arith.constant 0 : i32
        %dma_wait3A_221 = tpu.memref_slice %arg6[%dma_wait3A_208, %dma_wait3A_219, %dma_wait3A_220] : memref<5x1x128xi32, #tpu.memory_space<vmem>> -> memref<1x1x128xi32, #tpu.memory_space<vmem>>
        %dma_wait3A_222 = tpu.memref_squeeze %dma_wait3A_221 : memref<1x1x128xi32, #tpu.memory_space<vmem>> -> memref<1x128xi32, #tpu.memory_space<vmem>>
        %dma_wait3A_223 = arith.constant 0 : i32
        %dma_wait3A_224 = arith.constant 0 : i32
        %dma_wait3A_225 = tpu.memref_slice %arg3[%dma_wait3A_223, %dma_wait3A_224] : memref<2500x128xi32, #tpu.memory_space<hbm>> -> memref<1x128xi32, #tpu.memory_space<hbm>>
        tpu.wait_dma2 semaphore(%dma_wait3A_218 : memref<!tpu.dma_semaphore, #tpu.memory_space<semaphore_mem>>) src(%dma_wait3A_225 : memref<1x128xi32, #tpu.memory_space<hbm>>) dst(%dma_wait3A_222 : memref<1x128xi32, #tpu.memory_space<vmem>>)
        %add3A_226 = arith.constant 3 : i32
        %add3A_227 = arith.addi %add3A_155, %add3A_226 : i32
        %lt3A_228 = arith.cmpi slt, %add3A_227, %select_n3A : i32
        %convert_element_type3A_229 = arith.extui %lt3A_228 : i1 to i32
        %cond3A_230 = arith.constant 0 : i32
        %cond3A_231 = arith.cmpi ne, %convert_element_type3A_229, %cond3A_230 : i32
        scf.if %cond3A_231 {
          %add3A_235 = arith.constant 3 : i32
          %add3A_236 = arith.addi %add3A_155, %add3A_235 : i32
          %lt3A_237 = arith.constant 78 : i32
          %lt3A_238 = arith.cmpi slt, %add3A_236, %lt3A_237 : i32
          %mul3A_239 = arith.constant 32 : i32
          %mul3A_240 = arith.muli %mul3A_239, %add3A_236 : i32
          %add3A_241 = arith.addi %add3A, %mul3A_240 : i32
          %add3A_242 = arith.constant 2496 : i32
          %add3A_243 = arith.addi %add3A_242, %add3A : i32
          %select_n3A_244 = arith.select %lt3A_238, %add3A_241, %add3A_243 : i32
          %mul3A_245 = arith.constant 128 : i32
          %mul3A_246 = arith.muli %select_n3A_244, %mul3A_245 : i32
          %dma_start3A_247 = arith.constant 3 : i32
          %dma_start3A_248 = arith.constant 3 : i32
          %dma_start3A_249 = arith.constant 0 : i32
          %dma_start3A_250 = arith.constant 0 : i32
          %dma_start3A_251 = tpu.memref_slice %arg5[%dma_start3A_247, %dma_start3A_249, %dma_start3A_250] : memref<5x128x128xf32, #tpu.memory_space<vmem>> -> memref<1x128x128xf32, #tpu.memory_space<vmem>>
          %dma_start3A_252 = tpu.memref_squeeze %dma_start3A_251 : memref<1x128x128xf32, #tpu.memory_space<vmem>> -> memref<128x128xf32, #tpu.memory_space<vmem>>
          %dma_start3A_253 = arith.constant 0 : i32
          %dma_start3A_254 = tpu.memref_slice %arg2[%mul3A_246, %dma_start3A_253] : memref<320000x128xf32, #tpu.memory_space<hbm>> -> memref<128x128xf32, #tpu.memory_space<hbm>>
          %dma_start3A_255 = tpu.memref_slice %arg8[%dma_start3A_248] : memref<5x!tpu.dma_semaphore, #tpu.memory_space<semaphore_mem>> -> memref<1x!tpu.dma_semaphore, #tpu.memory_space<semaphore_mem>>
          %dma_start3A_256 = tpu.memref_squeeze %dma_start3A_255 : memref<1x!tpu.dma_semaphore, #tpu.memory_space<semaphore_mem>> -> memref<!tpu.dma_semaphore, #tpu.memory_space<semaphore_mem>>
          %dma_start3A_257 = arith.constant 0 : i32
          %dma_start3A_258 = arith.constant 0 : i32
          %dma_start3A_259 = tpu.memref_slice %arg5[%dma_start3A_247, %dma_start3A_257, %dma_start3A_258] : memref<5x128x128xf32, #tpu.memory_space<vmem>> -> memref<1x128x128xf32, #tpu.memory_space<vmem>>
          %dma_start3A_260 = tpu.memref_squeeze %dma_start3A_259 : memref<1x128x128xf32, #tpu.memory_space<vmem>> -> memref<128x128xf32, #tpu.memory_space<vmem>>
          %dma_start3A_261 = arith.constant 0 : i32
          %dma_start3A_262 = tpu.memref_slice %arg2[%mul3A_246, %dma_start3A_261] : memref<320000x128xf32, #tpu.memory_space<hbm>> -> memref<128x128xf32, #tpu.memory_space<hbm>>
          tpu.enqueue_dma source(%dma_start3A_262 : memref<128x128xf32, #tpu.memory_space<hbm>>) target(%dma_start3A_260 : memref<128x128xf32, #tpu.memory_space<vmem>>) target_semaphore(%dma_start3A_256 : memref<!tpu.dma_semaphore, #tpu.memory_space<semaphore_mem>>)
          %mul3A_263 = arith.constant 1 : i32
          %mul3A_264 = arith.muli %select_n3A_244, %mul3A_263 : i32
          %dma_start3A_265 = arith.constant 3 : i32
          %dma_start3A_266 = arith.constant 3 : i32
          %dma_start3A_267 = arith.constant 0 : i32
          %dma_start3A_268 = arith.constant 0 : i32
          %dma_start3A_269 = tpu.memref_slice %arg6[%dma_start3A_265, %dma_start3A_267, %dma_start3A_268] : memref<5x1x128xi32, #tpu.memory_space<vmem>> -> memref<1x1x128xi32, #tpu.memory_space<vmem>>
          %dma_start3A_270 = tpu.memref_squeeze %dma_start3A_269 : memref<1x1x128xi32, #tpu.memory_space<vmem>> -> memref<1x128xi32, #tpu.memory_space<vmem>>
          %dma_start3A_271 = arith.constant 0 : i32
          %dma_start3A_272 = tpu.memref_slice %arg3[%mul3A_264, %dma_start3A_271] : memref<2500x128xi32, #tpu.memory_space<hbm>> -> memref<1x128xi32, #tpu.memory_space<hbm>>
          %dma_start3A_273 = tpu.memref_slice %arg8[%dma_start3A_266] : memref<5x!tpu.dma_semaphore, #tpu.memory_space<semaphore_mem>> -> memref<1x!tpu.dma_semaphore, #tpu.memory_space<semaphore_mem>>
          %dma_start3A_274 = tpu.memref_squeeze %dma_start3A_273 : memref<1x!tpu.dma_semaphore, #tpu.memory_space<semaphore_mem>> -> memref<!tpu.dma_semaphore, #tpu.memory_space<semaphore_mem>>
          %dma_start3A_275 = arith.constant 0 : i32
          %dma_start3A_276 = arith.constant 0 : i32
          %dma_start3A_277 = tpu.memref_slice %arg6[%dma_start3A_265, %dma_start3A_275, %dma_start3A_276] : memref<5x1x128xi32, #tpu.memory_space<vmem>> -> memref<1x1x128xi32, #tpu.memory_space<vmem>>
          %dma_start3A_278 = tpu.memref_squeeze %dma_start3A_277 : memref<1x1x128xi32, #tpu.memory_space<vmem>> -> memref<1x128xi32, #tpu.memory_space<vmem>>
          %dma_start3A_279 = arith.constant 0 : i32
          %dma_start3A_280 = tpu.memref_slice %arg3[%mul3A_264, %dma_start3A_279] : memref<2500x128xi32, #tpu.memory_space<hbm>> -> memref<1x128xi32, #tpu.memory_space<hbm>>
          tpu.enqueue_dma source(%dma_start3A_280 : memref<1x128xi32, #tpu.memory_space<hbm>>) target(%dma_start3A_278 : memref<1x128xi32, #tpu.memory_space<vmem>>) target_semaphore(%dma_start3A_274 : memref<!tpu.dma_semaphore, #tpu.memory_space<semaphore_mem>>)
        } else {
        }
        %run_scoped3A_232 = arith.constant 0 : i32
        %run_scoped3A_233 = arith.constant 0 : i32
        %run_scoped3A_234 = arith.constant 0 : i32
        "tpu.region"() ({
          %run_scoped3A_235 = tpu.sem_alloc : memref<!tpu.dma_semaphore, #tpu.memory_space<semaphore_mem>>
          %dma_start3A_236 = arith.constant 0 : i32
          %dma_start3A_237 = arith.constant 0 : i32
          %dma_start3A_238 = tpu.memref_slice %arg5[%run_scoped3A_232, %dma_start3A_236, %dma_start3A_237] : memref<5x128x128xf32, #tpu.memory_space<vmem>> -> memref<1x128x128xf32, #tpu.memory_space<vmem>>
          %dma_start3A_239 = tpu.memref_squeeze %dma_start3A_238 : memref<1x128x128xf32, #tpu.memory_space<vmem>> -> memref<128x128xf32, #tpu.memory_space<vmem>>
          %dma_start3A_240 = arith.constant 0 : i32
          %dma_start3A_241 = tpu.memref_slice %arg6[%run_scoped3A_233, %run_scoped3A_234, %dma_start3A_240] : memref<5x1x128xi32, #tpu.memory_space<vmem>> -> memref<1x1x128xi32, #tpu.memory_space<vmem>>
          %dma_start3A_242 = tpu.memref_squeeze %dma_start3A_241 : memref<1x1x128xi32, #tpu.memory_space<vmem>> -> memref<128xi32, #tpu.memory_space<vmem>>
          %dma_start3A_243 = arith.constant 0 : i32
          %dma_start3A_244 = arith.constant 0 : i32
          %dma_start3A_245 = tpu.memref_slice %arg7[%dma_start3A_243, %dma_start3A_244] : memref<2048x128xf32, #tpu.memory_space<vmem_shared>> -> memref<2048x128xf32, #tpu.memory_space<vmem_shared>>
          tpu.enqueue_indirect_dma source(%dma_start3A_239 : memref<128x128xf32, #tpu.memory_space<vmem>>) target(%dma_start3A_245 : memref<2048x128xf32, #tpu.memory_space<vmem_shared>>) offsets(%dma_start3A_242 : memref<128xi32, #tpu.memory_space<vmem>>) semaphore(%run_scoped3A_235 : memref<!tpu.dma_semaphore, #tpu.memory_space<semaphore_mem>>) {add = true}
          %dma_wait3A_246 = arith.constant 0 : i32
          %dma_wait3A_247 = arith.constant 0 : i32
          %dma_wait3A_248 = tpu.memref_slice %arg5[%run_scoped3A_232, %dma_wait3A_246, %dma_wait3A_247] : memref<5x128x128xf32, #tpu.memory_space<vmem>> -> memref<1x128x128xf32, #tpu.memory_space<vmem>>
          %dma_wait3A_249 = tpu.memref_squeeze %dma_wait3A_248 : memref<1x128x128xf32, #tpu.memory_space<vmem>> -> memref<128x128xf32, #tpu.memory_space<vmem>>
          %dma_wait3A_250 = arith.constant 0 : i32
          %dma_wait3A_251 = tpu.memref_slice %arg6[%run_scoped3A_233, %run_scoped3A_234, %dma_wait3A_250] : memref<5x1x128xi32, #tpu.memory_space<vmem>> -> memref<1x1x128xi32, #tpu.memory_space<vmem>>
          %dma_wait3A_252 = tpu.memref_squeeze %dma_wait3A_251 : memref<1x1x128xi32, #tpu.memory_space<vmem>> -> memref<128xi32, #tpu.memory_space<vmem>>
          %dma_wait3A_253 = arith.constant 0 : i32
          %dma_wait3A_254 = arith.constant 0 : i32
          %dma_wait3A_255 = tpu.memref_slice %arg7[%dma_wait3A_253, %dma_wait3A_254] : memref<2048x128xf32, #tpu.memory_space<vmem_shared>> -> memref<2048x128xf32, #tpu.memory_space<vmem_shared>>
          tpu.wait_indirect_dma semaphore(%run_scoped3A_235 : memref<!tpu.dma_semaphore, #tpu.memory_space<semaphore_mem>>) src(%dma_wait3A_249 : memref<128x128xf32, #tpu.memory_space<vmem>>) dst(%dma_wait3A_255 : memref<2048x128xf32, #tpu.memory_space<vmem_shared>>)
          tpu.yield
        }) : () -> ()
      } else {
      }
      %mul3A_158 = arith.constant 5 : i32
      %mul3A_159 = arith.muli %mul3A_158, %scan3A_150 : i32
      %add3A_160 = arith.constant 1 : i32
      %add3A_161 = arith.addi %mul3A_159, %add3A_160 : i32
      %lt3A_162 = arith.cmpi slt, %add3A_161, %select_n3A : i32
      %convert_element_type3A_163 = arith.extui %lt3A_162 : i1 to i32
      %cond3A_164 = arith.constant 0 : i32
      %cond3A_165 = arith.cmpi ne, %convert_element_type3A_163, %cond3A_164 : i32
      scf.if %cond3A_165 {
        %dma_wait3A = arith.constant 1 : i32
        %dma_wait3A_191 = arith.constant 1 : i32
        %dma_wait3A_192 = arith.constant 0 : i32
        %dma_wait3A_193 = arith.constant 0 : i32
        %dma_wait3A_194 = tpu.memref_slice %arg5[%dma_wait3A, %dma_wait3A_192, %dma_wait3A_193] : memref<5x128x128xf32, #tpu.memory_space<vmem>> -> memref<1x128x128xf32, #tpu.memory_space<vmem>>
        %dma_wait3A_195 = tpu.memref_squeeze %dma_wait3A_194 : memref<1x128x128xf32, #tpu.memory_space<vmem>> -> memref<128x128xf32, #tpu.memory_space<vmem>>
        %dma_wait3A_196 = arith.constant 0 : i32
        %dma_wait3A_197 = arith.constant 0 : i32
        %dma_wait3A_198 = tpu.memref_slice %arg2[%dma_wait3A_196, %dma_wait3A_197] : memref<320000x128xf32, #tpu.memory_space<hbm>> -> memref<128x128xf32, #tpu.memory_space<hbm>>
        %dma_wait3A_199 = tpu.memref_slice %arg8[%dma_wait3A_191] : memref<5x!tpu.dma_semaphore, #tpu.memory_space<semaphore_mem>> -> memref<1x!tpu.dma_semaphore, #tpu.memory_space<semaphore_mem>>
        %dma_wait3A_200 = tpu.memref_squeeze %dma_wait3A_199 : memref<1x!tpu.dma_semaphore, #tpu.memory_space<semaphore_mem>> -> memref<!tpu.dma_semaphore, #tpu.memory_space<semaphore_mem>>
        %dma_wait3A_201 = arith.constant 0 : i32
        %dma_wait3A_202 = arith.constant 0 : i32
        %dma_wait3A_203 = tpu.memref_slice %arg5[%dma_wait3A, %dma_wait3A_201, %dma_wait3A_202] : memref<5x128x128xf32, #tpu.memory_space<vmem>> -> memref<1x128x128xf32, #tpu.memory_space<vmem>>
        %dma_wait3A_204 = tpu.memref_squeeze %dma_wait3A_203 : memref<1x128x128xf32, #tpu.memory_space<vmem>> -> memref<128x128xf32, #tpu.memory_space<vmem>>
        %dma_wait3A_205 = arith.constant 0 : i32
        %dma_wait3A_206 = arith.constant 0 : i32
        %dma_wait3A_207 = tpu.memref_slice %arg2[%dma_wait3A_205, %dma_wait3A_206] : memref<320000x128xf32, #tpu.memory_space<hbm>> -> memref<128x128xf32, #tpu.memory_space<hbm>>
        tpu.wait_dma2 semaphore(%dma_wait3A_200 : memref<!tpu.dma_semaphore, #tpu.memory_space<semaphore_mem>>) src(%dma_wait3A_207 : memref<128x128xf32, #tpu.memory_space<hbm>>) dst(%dma_wait3A_204 : memref<128x128xf32, #tpu.memory_space<vmem>>)
        %dma_wait3A_208 = arith.constant 1 : i32
        %dma_wait3A_209 = arith.constant 1 : i32
        %dma_wait3A_210 = arith.constant 0 : i32
        %dma_wait3A_211 = arith.constant 0 : i32
        %dma_wait3A_212 = tpu.memref_slice %arg6[%dma_wait3A_208, %dma_wait3A_210, %dma_wait3A_211] : memref<5x1x128xi32, #tpu.memory_space<vmem>> -> memref<1x1x128xi32, #tpu.memory_space<vmem>>
        %dma_wait3A_213 = tpu.memref_squeeze %dma_wait3A_212 : memref<1x1x128xi32, #tpu.memory_space<vmem>> -> memref<1x128xi32, #tpu.memory_space<vmem>>
        %dma_wait3A_214 = arith.constant 0 : i32
        %dma_wait3A_215 = arith.constant 0 : i32
        %dma_wait3A_216 = tpu.memref_slice %arg3[%dma_wait3A_214, %dma_wait3A_215] : memref<2500x128xi32, #tpu.memory_space<hbm>> -> memref<1x128xi32, #tpu.memory_space<hbm>>
        %dma_wait3A_217 = tpu.memref_slice %arg8[%dma_wait3A_209] : memref<5x!tpu.dma_semaphore, #tpu.memory_space<semaphore_mem>> -> memref<1x!tpu.dma_semaphore, #tpu.memory_space<semaphore_mem>>
        %dma_wait3A_218 = tpu.memref_squeeze %dma_wait3A_217 : memref<1x!tpu.dma_semaphore, #tpu.memory_space<semaphore_mem>> -> memref<!tpu.dma_semaphore, #tpu.memory_space<semaphore_mem>>
        %dma_wait3A_219 = arith.constant 0 : i32
        %dma_wait3A_220 = arith.constant 0 : i32
        %dma_wait3A_221 = tpu.memref_slice %arg6[%dma_wait3A_208, %dma_wait3A_219, %dma_wait3A_220] : memref<5x1x128xi32, #tpu.memory_space<vmem>> -> memref<1x1x128xi32, #tpu.memory_space<vmem>>
        %dma_wait3A_222 = tpu.memref_squeeze %dma_wait3A_221 : memref<1x1x128xi32, #tpu.memory_space<vmem>> -> memref<1x128xi32, #tpu.memory_space<vmem>>
        %dma_wait3A_223 = arith.constant 0 : i32
        %dma_wait3A_224 = arith.constant 0 : i32
        %dma_wait3A_225 = tpu.memref_slice %arg3[%dma_wait3A_223, %dma_wait3A_224] : memref<2500x128xi32, #tpu.memory_space<hbm>> -> memref<1x128xi32, #tpu.memory_space<hbm>>
        tpu.wait_dma2 semaphore(%dma_wait3A_218 : memref<!tpu.dma_semaphore, #tpu.memory_space<semaphore_mem>>) src(%dma_wait3A_225 : memref<1x128xi32, #tpu.memory_space<hbm>>) dst(%dma_wait3A_222 : memref<1x128xi32, #tpu.memory_space<vmem>>)
        %add3A_226 = arith.constant 3 : i32
        %add3A_227 = arith.addi %add3A_161, %add3A_226 : i32
        %lt3A_228 = arith.cmpi slt, %add3A_227, %select_n3A : i32
        %convert_element_type3A_229 = arith.extui %lt3A_228 : i1 to i32
        %cond3A_230 = arith.constant 0 : i32
        %cond3A_231 = arith.cmpi ne, %convert_element_type3A_229, %cond3A_230 : i32
        scf.if %cond3A_231 {
          %add3A_235 = arith.constant 3 : i32
          %add3A_236 = arith.addi %add3A_161, %add3A_235 : i32
          %lt3A_237 = arith.constant 78 : i32
          %lt3A_238 = arith.cmpi slt, %add3A_236, %lt3A_237 : i32
          %mul3A_239 = arith.constant 32 : i32
          %mul3A_240 = arith.muli %mul3A_239, %add3A_236 : i32
          %add3A_241 = arith.addi %add3A, %mul3A_240 : i32
          %add3A_242 = arith.constant 2496 : i32
          %add3A_243 = arith.addi %add3A_242, %add3A : i32
          %select_n3A_244 = arith.select %lt3A_238, %add3A_241, %add3A_243 : i32
          %mul3A_245 = arith.constant 128 : i32
          %mul3A_246 = arith.muli %select_n3A_244, %mul3A_245 : i32
          %dma_start3A_247 = arith.constant 4 : i32
          %dma_start3A_248 = arith.constant 4 : i32
          %dma_start3A_249 = arith.constant 0 : i32
          %dma_start3A_250 = arith.constant 0 : i32
          %dma_start3A_251 = tpu.memref_slice %arg5[%dma_start3A_247, %dma_start3A_249, %dma_start3A_250] : memref<5x128x128xf32, #tpu.memory_space<vmem>> -> memref<1x128x128xf32, #tpu.memory_space<vmem>>
          %dma_start3A_252 = tpu.memref_squeeze %dma_start3A_251 : memref<1x128x128xf32, #tpu.memory_space<vmem>> -> memref<128x128xf32, #tpu.memory_space<vmem>>
          %dma_start3A_253 = arith.constant 0 : i32
          %dma_start3A_254 = tpu.memref_slice %arg2[%mul3A_246, %dma_start3A_253] : memref<320000x128xf32, #tpu.memory_space<hbm>> -> memref<128x128xf32, #tpu.memory_space<hbm>>
          %dma_start3A_255 = tpu.memref_slice %arg8[%dma_start3A_248] : memref<5x!tpu.dma_semaphore, #tpu.memory_space<semaphore_mem>> -> memref<1x!tpu.dma_semaphore, #tpu.memory_space<semaphore_mem>>
          %dma_start3A_256 = tpu.memref_squeeze %dma_start3A_255 : memref<1x!tpu.dma_semaphore, #tpu.memory_space<semaphore_mem>> -> memref<!tpu.dma_semaphore, #tpu.memory_space<semaphore_mem>>
          %dma_start3A_257 = arith.constant 0 : i32
          %dma_start3A_258 = arith.constant 0 : i32
          %dma_start3A_259 = tpu.memref_slice %arg5[%dma_start3A_247, %dma_start3A_257, %dma_start3A_258] : memref<5x128x128xf32, #tpu.memory_space<vmem>> -> memref<1x128x128xf32, #tpu.memory_space<vmem>>
          %dma_start3A_260 = tpu.memref_squeeze %dma_start3A_259 : memref<1x128x128xf32, #tpu.memory_space<vmem>> -> memref<128x128xf32, #tpu.memory_space<vmem>>
          %dma_start3A_261 = arith.constant 0 : i32
          %dma_start3A_262 = tpu.memref_slice %arg2[%mul3A_246, %dma_start3A_261] : memref<320000x128xf32, #tpu.memory_space<hbm>> -> memref<128x128xf32, #tpu.memory_space<hbm>>
          tpu.enqueue_dma source(%dma_start3A_262 : memref<128x128xf32, #tpu.memory_space<hbm>>) target(%dma_start3A_260 : memref<128x128xf32, #tpu.memory_space<vmem>>) target_semaphore(%dma_start3A_256 : memref<!tpu.dma_semaphore, #tpu.memory_space<semaphore_mem>>)
          %mul3A_263 = arith.constant 1 : i32
          %mul3A_264 = arith.muli %select_n3A_244, %mul3A_263 : i32
          %dma_start3A_265 = arith.constant 4 : i32
          %dma_start3A_266 = arith.constant 4 : i32
          %dma_start3A_267 = arith.constant 0 : i32
          %dma_start3A_268 = arith.constant 0 : i32
          %dma_start3A_269 = tpu.memref_slice %arg6[%dma_start3A_265, %dma_start3A_267, %dma_start3A_268] : memref<5x1x128xi32, #tpu.memory_space<vmem>> -> memref<1x1x128xi32, #tpu.memory_space<vmem>>
          %dma_start3A_270 = tpu.memref_squeeze %dma_start3A_269 : memref<1x1x128xi32, #tpu.memory_space<vmem>> -> memref<1x128xi32, #tpu.memory_space<vmem>>
          %dma_start3A_271 = arith.constant 0 : i32
          %dma_start3A_272 = tpu.memref_slice %arg3[%mul3A_264, %dma_start3A_271] : memref<2500x128xi32, #tpu.memory_space<hbm>> -> memref<1x128xi32, #tpu.memory_space<hbm>>
          %dma_start3A_273 = tpu.memref_slice %arg8[%dma_start3A_266] : memref<5x!tpu.dma_semaphore, #tpu.memory_space<semaphore_mem>> -> memref<1x!tpu.dma_semaphore, #tpu.memory_space<semaphore_mem>>
          %dma_start3A_274 = tpu.memref_squeeze %dma_start3A_273 : memref<1x!tpu.dma_semaphore, #tpu.memory_space<semaphore_mem>> -> memref<!tpu.dma_semaphore, #tpu.memory_space<semaphore_mem>>
          %dma_start3A_275 = arith.constant 0 : i32
          %dma_start3A_276 = arith.constant 0 : i32
          %dma_start3A_277 = tpu.memref_slice %arg6[%dma_start3A_265, %dma_start3A_275, %dma_start3A_276] : memref<5x1x128xi32, #tpu.memory_space<vmem>> -> memref<1x1x128xi32, #tpu.memory_space<vmem>>
          %dma_start3A_278 = tpu.memref_squeeze %dma_start3A_277 : memref<1x1x128xi32, #tpu.memory_space<vmem>> -> memref<1x128xi32, #tpu.memory_space<vmem>>
          %dma_start3A_279 = arith.constant 0 : i32
          %dma_start3A_280 = tpu.memref_slice %arg3[%mul3A_264, %dma_start3A_279] : memref<2500x128xi32, #tpu.memory_space<hbm>> -> memref<1x128xi32, #tpu.memory_space<hbm>>
          tpu.enqueue_dma source(%dma_start3A_280 : memref<1x128xi32, #tpu.memory_space<hbm>>) target(%dma_start3A_278 : memref<1x128xi32, #tpu.memory_space<vmem>>) target_semaphore(%dma_start3A_274 : memref<!tpu.dma_semaphore, #tpu.memory_space<semaphore_mem>>)
        } else {
        }
        %run_scoped3A_232 = arith.constant 1 : i32
        %run_scoped3A_233 = arith.constant 1 : i32
        %run_scoped3A_234 = arith.constant 0 : i32
        "tpu.region"() ({
          %run_scoped3A_235 = tpu.sem_alloc : memref<!tpu.dma_semaphore, #tpu.memory_space<semaphore_mem>>
          %dma_start3A_236 = arith.constant 0 : i32
          %dma_start3A_237 = arith.constant 0 : i32
          %dma_start3A_238 = tpu.memref_slice %arg5[%run_scoped3A_232, %dma_start3A_236, %dma_start3A_237] : memref<5x128x128xf32, #tpu.memory_space<vmem>> -> memref<1x128x128xf32, #tpu.memory_space<vmem>>
          %dma_start3A_239 = tpu.memref_squeeze %dma_start3A_238 : memref<1x128x128xf32, #tpu.memory_space<vmem>> -> memref<128x128xf32, #tpu.memory_space<vmem>>
          %dma_start3A_240 = arith.constant 0 : i32
          %dma_start3A_241 = tpu.memref_slice %arg6[%run_scoped3A_233, %run_scoped3A_234, %dma_start3A_240] : memref<5x1x128xi32, #tpu.memory_space<vmem>> -> memref<1x1x128xi32, #tpu.memory_space<vmem>>
          %dma_start3A_242 = tpu.memref_squeeze %dma_start3A_241 : memref<1x1x128xi32, #tpu.memory_space<vmem>> -> memref<128xi32, #tpu.memory_space<vmem>>
          %dma_start3A_243 = arith.constant 0 : i32
          %dma_start3A_244 = arith.constant 0 : i32
          %dma_start3A_245 = tpu.memref_slice %arg7[%dma_start3A_243, %dma_start3A_244] : memref<2048x128xf32, #tpu.memory_space<vmem_shared>> -> memref<2048x128xf32, #tpu.memory_space<vmem_shared>>
          tpu.enqueue_indirect_dma source(%dma_start3A_239 : memref<128x128xf32, #tpu.memory_space<vmem>>) target(%dma_start3A_245 : memref<2048x128xf32, #tpu.memory_space<vmem_shared>>) offsets(%dma_start3A_242 : memref<128xi32, #tpu.memory_space<vmem>>) semaphore(%run_scoped3A_235 : memref<!tpu.dma_semaphore, #tpu.memory_space<semaphore_mem>>) {add = true}
          %dma_wait3A_246 = arith.constant 0 : i32
          %dma_wait3A_247 = arith.constant 0 : i32
          %dma_wait3A_248 = tpu.memref_slice %arg5[%run_scoped3A_232, %dma_wait3A_246, %dma_wait3A_247] : memref<5x128x128xf32, #tpu.memory_space<vmem>> -> memref<1x128x128xf32, #tpu.memory_space<vmem>>
          %dma_wait3A_249 = tpu.memref_squeeze %dma_wait3A_248 : memref<1x128x128xf32, #tpu.memory_space<vmem>> -> memref<128x128xf32, #tpu.memory_space<vmem>>
          %dma_wait3A_250 = arith.constant 0 : i32
          %dma_wait3A_251 = tpu.memref_slice %arg6[%run_scoped3A_233, %run_scoped3A_234, %dma_wait3A_250] : memref<5x1x128xi32, #tpu.memory_space<vmem>> -> memref<1x1x128xi32, #tpu.memory_space<vmem>>
          %dma_wait3A_252 = tpu.memref_squeeze %dma_wait3A_251 : memref<1x1x128xi32, #tpu.memory_space<vmem>> -> memref<128xi32, #tpu.memory_space<vmem>>
          %dma_wait3A_253 = arith.constant 0 : i32
          %dma_wait3A_254 = arith.constant 0 : i32
          %dma_wait3A_255 = tpu.memref_slice %arg7[%dma_wait3A_253, %dma_wait3A_254] : memref<2048x128xf32, #tpu.memory_space<vmem_shared>> -> memref<2048x128xf32, #tpu.memory_space<vmem_shared>>
          tpu.wait_indirect_dma semaphore(%run_scoped3A_235 : memref<!tpu.dma_semaphore, #tpu.memory_space<semaphore_mem>>) src(%dma_wait3A_249 : memref<128x128xf32, #tpu.memory_space<vmem>>) dst(%dma_wait3A_255 : memref<2048x128xf32, #tpu.memory_space<vmem_shared>>)
          tpu.yield
        }) : () -> ()
      } else {
      }
      %mul3A_166 = arith.constant 5 : i32
      %mul3A_167 = arith.muli %mul3A_166, %scan3A_150 : i32
      %add3A_168 = arith.constant 2 : i32
      %add3A_169 = arith.addi %mul3A_167, %add3A_168 : i32
      %lt3A_170 = arith.cmpi slt, %add3A_169, %select_n3A : i32
      %convert_element_type3A_171 = arith.extui %lt3A_170 : i1 to i32
      %cond3A_172 = arith.constant 0 : i32
      %cond3A_173 = arith.cmpi ne, %convert_element_type3A_171, %cond3A_172 : i32
      scf.if %cond3A_173 {
        %dma_wait3A = arith.constant 2 : i32
        %dma_wait3A_191 = arith.constant 2 : i32
        %dma_wait3A_192 = arith.constant 0 : i32
        %dma_wait3A_193 = arith.constant 0 : i32
        %dma_wait3A_194 = tpu.memref_slice %arg5[%dma_wait3A, %dma_wait3A_192, %dma_wait3A_193] : memref<5x128x128xf32, #tpu.memory_space<vmem>> -> memref<1x128x128xf32, #tpu.memory_space<vmem>>
        %dma_wait3A_195 = tpu.memref_squeeze %dma_wait3A_194 : memref<1x128x128xf32, #tpu.memory_space<vmem>> -> memref<128x128xf32, #tpu.memory_space<vmem>>
        %dma_wait3A_196 = arith.constant 0 : i32
        %dma_wait3A_197 = arith.constant 0 : i32
        %dma_wait3A_198 = tpu.memref_slice %arg2[%dma_wait3A_196, %dma_wait3A_197] : memref<320000x128xf32, #tpu.memory_space<hbm>> -> memref<128x128xf32, #tpu.memory_space<hbm>>
        %dma_wait3A_199 = tpu.memref_slice %arg8[%dma_wait3A_191] : memref<5x!tpu.dma_semaphore, #tpu.memory_space<semaphore_mem>> -> memref<1x!tpu.dma_semaphore, #tpu.memory_space<semaphore_mem>>
        %dma_wait3A_200 = tpu.memref_squeeze %dma_wait3A_199 : memref<1x!tpu.dma_semaphore, #tpu.memory_space<semaphore_mem>> -> memref<!tpu.dma_semaphore, #tpu.memory_space<semaphore_mem>>
        %dma_wait3A_201 = arith.constant 0 : i32
        %dma_wait3A_202 = arith.constant 0 : i32
        %dma_wait3A_203 = tpu.memref_slice %arg5[%dma_wait3A, %dma_wait3A_201, %dma_wait3A_202] : memref<5x128x128xf32, #tpu.memory_space<vmem>> -> memref<1x128x128xf32, #tpu.memory_space<vmem>>
        %dma_wait3A_204 = tpu.memref_squeeze %dma_wait3A_203 : memref<1x128x128xf32, #tpu.memory_space<vmem>> -> memref<128x128xf32, #tpu.memory_space<vmem>>
        %dma_wait3A_205 = arith.constant 0 : i32
        %dma_wait3A_206 = arith.constant 0 : i32
        %dma_wait3A_207 = tpu.memref_slice %arg2[%dma_wait3A_205, %dma_wait3A_206] : memref<320000x128xf32, #tpu.memory_space<hbm>> -> memref<128x128xf32, #tpu.memory_space<hbm>>
        tpu.wait_dma2 semaphore(%dma_wait3A_200 : memref<!tpu.dma_semaphore, #tpu.memory_space<semaphore_mem>>) src(%dma_wait3A_207 : memref<128x128xf32, #tpu.memory_space<hbm>>) dst(%dma_wait3A_204 : memref<128x128xf32, #tpu.memory_space<vmem>>)
        %dma_wait3A_208 = arith.constant 2 : i32
        %dma_wait3A_209 = arith.constant 2 : i32
        %dma_wait3A_210 = arith.constant 0 : i32
        %dma_wait3A_211 = arith.constant 0 : i32
        %dma_wait3A_212 = tpu.memref_slice %arg6[%dma_wait3A_208, %dma_wait3A_210, %dma_wait3A_211] : memref<5x1x128xi32, #tpu.memory_space<vmem>> -> memref<1x1x128xi32, #tpu.memory_space<vmem>>
        %dma_wait3A_213 = tpu.memref_squeeze %dma_wait3A_212 : memref<1x1x128xi32, #tpu.memory_space<vmem>> -> memref<1x128xi32, #tpu.memory_space<vmem>>
        %dma_wait3A_214 = arith.constant 0 : i32
        %dma_wait3A_215 = arith.constant 0 : i32
        %dma_wait3A_216 = tpu.memref_slice %arg3[%dma_wait3A_214, %dma_wait3A_215] : memref<2500x128xi32, #tpu.memory_space<hbm>> -> memref<1x128xi32, #tpu.memory_space<hbm>>
        %dma_wait3A_217 = tpu.memref_slice %arg8[%dma_wait3A_209] : memref<5x!tpu.dma_semaphore, #tpu.memory_space<semaphore_mem>> -> memref<1x!tpu.dma_semaphore, #tpu.memory_space<semaphore_mem>>
        %dma_wait3A_218 = tpu.memref_squeeze %dma_wait3A_217 : memref<1x!tpu.dma_semaphore, #tpu.memory_space<semaphore_mem>> -> memref<!tpu.dma_semaphore, #tpu.memory_space<semaphore_mem>>
        %dma_wait3A_219 = arith.constant 0 : i32
        %dma_wait3A_220 = arith.constant 0 : i32
        %dma_wait3A_221 = tpu.memref_slice %arg6[%dma_wait3A_208, %dma_wait3A_219, %dma_wait3A_220] : memref<5x1x128xi32, #tpu.memory_space<vmem>> -> memref<1x1x128xi32, #tpu.memory_space<vmem>>
        %dma_wait3A_222 = tpu.memref_squeeze %dma_wait3A_221 : memref<1x1x128xi32, #tpu.memory_space<vmem>> -> memref<1x128xi32, #tpu.memory_space<vmem>>
        %dma_wait3A_223 = arith.constant 0 : i32
        %dma_wait3A_224 = arith.constant 0 : i32
        %dma_wait3A_225 = tpu.memref_slice %arg3[%dma_wait3A_223, %dma_wait3A_224] : memref<2500x128xi32, #tpu.memory_space<hbm>> -> memref<1x128xi32, #tpu.memory_space<hbm>>
        tpu.wait_dma2 semaphore(%dma_wait3A_218 : memref<!tpu.dma_semaphore, #tpu.memory_space<semaphore_mem>>) src(%dma_wait3A_225 : memref<1x128xi32, #tpu.memory_space<hbm>>) dst(%dma_wait3A_222 : memref<1x128xi32, #tpu.memory_space<vmem>>)
        %add3A_226 = arith.constant 3 : i32
        %add3A_227 = arith.addi %add3A_169, %add3A_226 : i32
        %lt3A_228 = arith.cmpi slt, %add3A_227, %select_n3A : i32
        %convert_element_type3A_229 = arith.extui %lt3A_228 : i1 to i32
        %cond3A_230 = arith.constant 0 : i32
        %cond3A_231 = arith.cmpi ne, %convert_element_type3A_229, %cond3A_230 : i32
        scf.if %cond3A_231 {
          %add3A_235 = arith.constant 3 : i32
          %add3A_236 = arith.addi %add3A_169, %add3A_235 : i32
          %lt3A_237 = arith.constant 78 : i32
          %lt3A_238 = arith.cmpi slt, %add3A_236, %lt3A_237 : i32
          %mul3A_239 = arith.constant 32 : i32
          %mul3A_240 = arith.muli %mul3A_239, %add3A_236 : i32
          %add3A_241 = arith.addi %add3A, %mul3A_240 : i32
          %add3A_242 = arith.constant 2496 : i32
          %add3A_243 = arith.addi %add3A_242, %add3A : i32
          %select_n3A_244 = arith.select %lt3A_238, %add3A_241, %add3A_243 : i32
          %mul3A_245 = arith.constant 128 : i32
          %mul3A_246 = arith.muli %select_n3A_244, %mul3A_245 : i32
          %dma_start3A_247 = arith.constant 0 : i32
          %dma_start3A_248 = arith.constant 0 : i32
          %dma_start3A_249 = arith.constant 0 : i32
          %dma_start3A_250 = arith.constant 0 : i32
          %dma_start3A_251 = tpu.memref_slice %arg5[%dma_start3A_247, %dma_start3A_249, %dma_start3A_250] : memref<5x128x128xf32, #tpu.memory_space<vmem>> -> memref<1x128x128xf32, #tpu.memory_space<vmem>>
          %dma_start3A_252 = tpu.memref_squeeze %dma_start3A_251 : memref<1x128x128xf32, #tpu.memory_space<vmem>> -> memref<128x128xf32, #tpu.memory_space<vmem>>
          %dma_start3A_253 = arith.constant 0 : i32
          %dma_start3A_254 = tpu.memref_slice %arg2[%mul3A_246, %dma_start3A_253] : memref<320000x128xf32, #tpu.memory_space<hbm>> -> memref<128x128xf32, #tpu.memory_space<hbm>>
          %dma_start3A_255 = tpu.memref_slice %arg8[%dma_start3A_248] : memref<5x!tpu.dma_semaphore, #tpu.memory_space<semaphore_mem>> -> memref<1x!tpu.dma_semaphore, #tpu.memory_space<semaphore_mem>>
          %dma_start3A_256 = tpu.memref_squeeze %dma_start3A_255 : memref<1x!tpu.dma_semaphore, #tpu.memory_space<semaphore_mem>> -> memref<!tpu.dma_semaphore, #tpu.memory_space<semaphore_mem>>
          %dma_start3A_257 = arith.constant 0 : i32
          %dma_start3A_258 = arith.constant 0 : i32
          %dma_start3A_259 = tpu.memref_slice %arg5[%dma_start3A_247, %dma_start3A_257, %dma_start3A_258] : memref<5x128x128xf32, #tpu.memory_space<vmem>> -> memref<1x128x128xf32, #tpu.memory_space<vmem>>
          %dma_start3A_260 = tpu.memref_squeeze %dma_start3A_259 : memref<1x128x128xf32, #tpu.memory_space<vmem>> -> memref<128x128xf32, #tpu.memory_space<vmem>>
          %dma_start3A_261 = arith.constant 0 : i32
          %dma_start3A_262 = tpu.memref_slice %arg2[%mul3A_246, %dma_start3A_261] : memref<320000x128xf32, #tpu.memory_space<hbm>> -> memref<128x128xf32, #tpu.memory_space<hbm>>
          tpu.enqueue_dma source(%dma_start3A_262 : memref<128x128xf32, #tpu.memory_space<hbm>>) target(%dma_start3A_260 : memref<128x128xf32, #tpu.memory_space<vmem>>) target_semaphore(%dma_start3A_256 : memref<!tpu.dma_semaphore, #tpu.memory_space<semaphore_mem>>)
          %mul3A_263 = arith.constant 1 : i32
          %mul3A_264 = arith.muli %select_n3A_244, %mul3A_263 : i32
          %dma_start3A_265 = arith.constant 0 : i32
          %dma_start3A_266 = arith.constant 0 : i32
          %dma_start3A_267 = arith.constant 0 : i32
          %dma_start3A_268 = arith.constant 0 : i32
          %dma_start3A_269 = tpu.memref_slice %arg6[%dma_start3A_265, %dma_start3A_267, %dma_start3A_268] : memref<5x1x128xi32, #tpu.memory_space<vmem>> -> memref<1x1x128xi32, #tpu.memory_space<vmem>>
          %dma_start3A_270 = tpu.memref_squeeze %dma_start3A_269 : memref<1x1x128xi32, #tpu.memory_space<vmem>> -> memref<1x128xi32, #tpu.memory_space<vmem>>
          %dma_start3A_271 = arith.constant 0 : i32
          %dma_start3A_272 = tpu.memref_slice %arg3[%mul3A_264, %dma_start3A_271] : memref<2500x128xi32, #tpu.memory_space<hbm>> -> memref<1x128xi32, #tpu.memory_space<hbm>>
          %dma_start3A_273 = tpu.memref_slice %arg8[%dma_start3A_266] : memref<5x!tpu.dma_semaphore, #tpu.memory_space<semaphore_mem>> -> memref<1x!tpu.dma_semaphore, #tpu.memory_space<semaphore_mem>>
          %dma_start3A_274 = tpu.memref_squeeze %dma_start3A_273 : memref<1x!tpu.dma_semaphore, #tpu.memory_space<semaphore_mem>> -> memref<!tpu.dma_semaphore, #tpu.memory_space<semaphore_mem>>
          %dma_start3A_275 = arith.constant 0 : i32
          %dma_start3A_276 = arith.constant 0 : i32
          %dma_start3A_277 = tpu.memref_slice %arg6[%dma_start3A_265, %dma_start3A_275, %dma_start3A_276] : memref<5x1x128xi32, #tpu.memory_space<vmem>> -> memref<1x1x128xi32, #tpu.memory_space<vmem>>
          %dma_start3A_278 = tpu.memref_squeeze %dma_start3A_277 : memref<1x1x128xi32, #tpu.memory_space<vmem>> -> memref<1x128xi32, #tpu.memory_space<vmem>>
          %dma_start3A_279 = arith.constant 0 : i32
          %dma_start3A_280 = tpu.memref_slice %arg3[%mul3A_264, %dma_start3A_279] : memref<2500x128xi32, #tpu.memory_space<hbm>> -> memref<1x128xi32, #tpu.memory_space<hbm>>
          tpu.enqueue_dma source(%dma_start3A_280 : memref<1x128xi32, #tpu.memory_space<hbm>>) target(%dma_start3A_278 : memref<1x128xi32, #tpu.memory_space<vmem>>) target_semaphore(%dma_start3A_274 : memref<!tpu.dma_semaphore, #tpu.memory_space<semaphore_mem>>)
        } else {
        }
        %run_scoped3A_232 = arith.constant 2 : i32
        %run_scoped3A_233 = arith.constant 2 : i32
        %run_scoped3A_234 = arith.constant 0 : i32
        "tpu.region"() ({
          %run_scoped3A_235 = tpu.sem_alloc : memref<!tpu.dma_semaphore, #tpu.memory_space<semaphore_mem>>
          %dma_start3A_236 = arith.constant 0 : i32
          %dma_start3A_237 = arith.constant 0 : i32
          %dma_start3A_238 = tpu.memref_slice %arg5[%run_scoped3A_232, %dma_start3A_236, %dma_start3A_237] : memref<5x128x128xf32, #tpu.memory_space<vmem>> -> memref<1x128x128xf32, #tpu.memory_space<vmem>>
          %dma_start3A_239 = tpu.memref_squeeze %dma_start3A_238 : memref<1x128x128xf32, #tpu.memory_space<vmem>> -> memref<128x128xf32, #tpu.memory_space<vmem>>
          %dma_start3A_240 = arith.constant 0 : i32
          %dma_start3A_241 = tpu.memref_slice %arg6[%run_scoped3A_233, %run_scoped3A_234, %dma_start3A_240] : memref<5x1x128xi32, #tpu.memory_space<vmem>> -> memref<1x1x128xi32, #tpu.memory_space<vmem>>
          %dma_start3A_242 = tpu.memref_squeeze %dma_start3A_241 : memref<1x1x128xi32, #tpu.memory_space<vmem>> -> memref<128xi32, #tpu.memory_space<vmem>>
          %dma_start3A_243 = arith.constant 0 : i32
          %dma_start3A_244 = arith.constant 0 : i32
          %dma_start3A_245 = tpu.memref_slice %arg7[%dma_start3A_243, %dma_start3A_244] : memref<2048x128xf32, #tpu.memory_space<vmem_shared>> -> memref<2048x128xf32, #tpu.memory_space<vmem_shared>>
          tpu.enqueue_indirect_dma source(%dma_start3A_239 : memref<128x128xf32, #tpu.memory_space<vmem>>) target(%dma_start3A_245 : memref<2048x128xf32, #tpu.memory_space<vmem_shared>>) offsets(%dma_start3A_242 : memref<128xi32, #tpu.memory_space<vmem>>) semaphore(%run_scoped3A_235 : memref<!tpu.dma_semaphore, #tpu.memory_space<semaphore_mem>>) {add = true}
          %dma_wait3A_246 = arith.constant 0 : i32
          %dma_wait3A_247 = arith.constant 0 : i32
          %dma_wait3A_248 = tpu.memref_slice %arg5[%run_scoped3A_232, %dma_wait3A_246, %dma_wait3A_247] : memref<5x128x128xf32, #tpu.memory_space<vmem>> -> memref<1x128x128xf32, #tpu.memory_space<vmem>>
          %dma_wait3A_249 = tpu.memref_squeeze %dma_wait3A_248 : memref<1x128x128xf32, #tpu.memory_space<vmem>> -> memref<128x128xf32, #tpu.memory_space<vmem>>
          %dma_wait3A_250 = arith.constant 0 : i32
          %dma_wait3A_251 = tpu.memref_slice %arg6[%run_scoped3A_233, %run_scoped3A_234, %dma_wait3A_250] : memref<5x1x128xi32, #tpu.memory_space<vmem>> -> memref<1x1x128xi32, #tpu.memory_space<vmem>>
          %dma_wait3A_252 = tpu.memref_squeeze %dma_wait3A_251 : memref<1x1x128xi32, #tpu.memory_space<vmem>> -> memref<128xi32, #tpu.memory_space<vmem>>
          %dma_wait3A_253 = arith.constant 0 : i32
          %dma_wait3A_254 = arith.constant 0 : i32
          %dma_wait3A_255 = tpu.memref_slice %arg7[%dma_wait3A_253, %dma_wait3A_254] : memref<2048x128xf32, #tpu.memory_space<vmem_shared>> -> memref<2048x128xf32, #tpu.memory_space<vmem_shared>>
          tpu.wait_indirect_dma semaphore(%run_scoped3A_235 : memref<!tpu.dma_semaphore, #tpu.memory_space<semaphore_mem>>) src(%dma_wait3A_249 : memref<128x128xf32, #tpu.memory_space<vmem>>) dst(%dma_wait3A_255 : memref<2048x128xf32, #tpu.memory_space<vmem_shared>>)
          tpu.yield
        }) : () -> ()
      } else {
      }
      %mul3A_174 = arith.constant 5 : i32
      %mul3A_175 = arith.muli %mul3A_174, %scan3A_150 : i32
      %add3A_176 = arith.constant 3 : i32
      %add3A_177 = arith.addi %mul3A_175, %add3A_176 : i32
      %lt3A_178 = arith.cmpi slt, %add3A_177, %select_n3A : i32
      %convert_element_type3A_179 = arith.extui %lt3A_178 : i1 to i32
      %cond3A_180 = arith.constant 0 : i32
      %cond3A_181 = arith.cmpi ne, %convert_element_type3A_179, %cond3A_180 : i32
      scf.if %cond3A_181 {
        %dma_wait3A = arith.constant 3 : i32
        %dma_wait3A_191 = arith.constant 3 : i32
        %dma_wait3A_192 = arith.constant 0 : i32
        %dma_wait3A_193 = arith.constant 0 : i32
        %dma_wait3A_194 = tpu.memref_slice %arg5[%dma_wait3A, %dma_wait3A_192, %dma_wait3A_193] : memref<5x128x128xf32, #tpu.memory_space<vmem>> -> memref<1x128x128xf32, #tpu.memory_space<vmem>>
        %dma_wait3A_195 = tpu.memref_squeeze %dma_wait3A_194 : memref<1x128x128xf32, #tpu.memory_space<vmem>> -> memref<128x128xf32, #tpu.memory_space<vmem>>
        %dma_wait3A_196 = arith.constant 0 : i32
        %dma_wait3A_197 = arith.constant 0 : i32
        %dma_wait3A_198 = tpu.memref_slice %arg2[%dma_wait3A_196, %dma_wait3A_197] : memref<320000x128xf32, #tpu.memory_space<hbm>> -> memref<128x128xf32, #tpu.memory_space<hbm>>
        %dma_wait3A_199 = tpu.memref_slice %arg8[%dma_wait3A_191] : memref<5x!tpu.dma_semaphore, #tpu.memory_space<semaphore_mem>> -> memref<1x!tpu.dma_semaphore, #tpu.memory_space<semaphore_mem>>
        %dma_wait3A_200 = tpu.memref_squeeze %dma_wait3A_199 : memref<1x!tpu.dma_semaphore, #tpu.memory_space<semaphore_mem>> -> memref<!tpu.dma_semaphore, #tpu.memory_space<semaphore_mem>>
        %dma_wait3A_201 = arith.constant 0 : i32
        %dma_wait3A_202 = arith.constant 0 : i32
        %dma_wait3A_203 = tpu.memref_slice %arg5[%dma_wait3A, %dma_wait3A_201, %dma_wait3A_202] : memref<5x128x128xf32, #tpu.memory_space<vmem>> -> memref<1x128x128xf32, #tpu.memory_space<vmem>>
        %dma_wait3A_204 = tpu.memref_squeeze %dma_wait3A_203 : memref<1x128x128xf32, #tpu.memory_space<vmem>> -> memref<128x128xf32, #tpu.memory_space<vmem>>
        %dma_wait3A_205 = arith.constant 0 : i32
        %dma_wait3A_206 = arith.constant 0 : i32
        %dma_wait3A_207 = tpu.memref_slice %arg2[%dma_wait3A_205, %dma_wait3A_206] : memref<320000x128xf32, #tpu.memory_space<hbm>> -> memref<128x128xf32, #tpu.memory_space<hbm>>
        tpu.wait_dma2 semaphore(%dma_wait3A_200 : memref<!tpu.dma_semaphore, #tpu.memory_space<semaphore_mem>>) src(%dma_wait3A_207 : memref<128x128xf32, #tpu.memory_space<hbm>>) dst(%dma_wait3A_204 : memref<128x128xf32, #tpu.memory_space<vmem>>)
        %dma_wait3A_208 = arith.constant 3 : i32
        %dma_wait3A_209 = arith.constant 3 : i32
        %dma_wait3A_210 = arith.constant 0 : i32
        %dma_wait3A_211 = arith.constant 0 : i32
        %dma_wait3A_212 = tpu.memref_slice %arg6[%dma_wait3A_208, %dma_wait3A_210, %dma_wait3A_211] : memref<5x1x128xi32, #tpu.memory_space<vmem>> -> memref<1x1x128xi32, #tpu.memory_space<vmem>>
        %dma_wait3A_213 = tpu.memref_squeeze %dma_wait3A_212 : memref<1x1x128xi32, #tpu.memory_space<vmem>> -> memref<1x128xi32, #tpu.memory_space<vmem>>
        %dma_wait3A_214 = arith.constant 0 : i32
        %dma_wait3A_215 = arith.constant 0 : i32
        %dma_wait3A_216 = tpu.memref_slice %arg3[%dma_wait3A_214, %dma_wait3A_215] : memref<2500x128xi32, #tpu.memory_space<hbm>> -> memref<1x128xi32, #tpu.memory_space<hbm>>
        %dma_wait3A_217 = tpu.memref_slice %arg8[%dma_wait3A_209] : memref<5x!tpu.dma_semaphore, #tpu.memory_space<semaphore_mem>> -> memref<1x!tpu.dma_semaphore, #tpu.memory_space<semaphore_mem>>
        %dma_wait3A_218 = tpu.memref_squeeze %dma_wait3A_217 : memref<1x!tpu.dma_semaphore, #tpu.memory_space<semaphore_mem>> -> memref<!tpu.dma_semaphore, #tpu.memory_space<semaphore_mem>>
        %dma_wait3A_219 = arith.constant 0 : i32
        %dma_wait3A_220 = arith.constant 0 : i32
        %dma_wait3A_221 = tpu.memref_slice %arg6[%dma_wait3A_208, %dma_wait3A_219, %dma_wait3A_220] : memref<5x1x128xi32, #tpu.memory_space<vmem>> -> memref<1x1x128xi32, #tpu.memory_space<vmem>>
        %dma_wait3A_222 = tpu.memref_squeeze %dma_wait3A_221 : memref<1x1x128xi32, #tpu.memory_space<vmem>> -> memref<1x128xi32, #tpu.memory_space<vmem>>
        %dma_wait3A_223 = arith.constant 0 : i32
        %dma_wait3A_224 = arith.constant 0 : i32
        %dma_wait3A_225 = tpu.memref_slice %arg3[%dma_wait3A_223, %dma_wait3A_224] : memref<2500x128xi32, #tpu.memory_space<hbm>> -> memref<1x128xi32, #tpu.memory_space<hbm>>
        tpu.wait_dma2 semaphore(%dma_wait3A_218 : memref<!tpu.dma_semaphore, #tpu.memory_space<semaphore_mem>>) src(%dma_wait3A_225 : memref<1x128xi32, #tpu.memory_space<hbm>>) dst(%dma_wait3A_222 : memref<1x128xi32, #tpu.memory_space<vmem>>)
        %add3A_226 = arith.constant 3 : i32
        %add3A_227 = arith.addi %add3A_177, %add3A_226 : i32
        %lt3A_228 = arith.cmpi slt, %add3A_227, %select_n3A : i32
        %convert_element_type3A_229 = arith.extui %lt3A_228 : i1 to i32
        %cond3A_230 = arith.constant 0 : i32
        %cond3A_231 = arith.cmpi ne, %convert_element_type3A_229, %cond3A_230 : i32
        scf.if %cond3A_231 {
          %add3A_235 = arith.constant 3 : i32
          %add3A_236 = arith.addi %add3A_177, %add3A_235 : i32
          %lt3A_237 = arith.constant 78 : i32
          %lt3A_238 = arith.cmpi slt, %add3A_236, %lt3A_237 : i32
          %mul3A_239 = arith.constant 32 : i32
          %mul3A_240 = arith.muli %mul3A_239, %add3A_236 : i32
          %add3A_241 = arith.addi %add3A, %mul3A_240 : i32
          %add3A_242 = arith.constant 2496 : i32
          %add3A_243 = arith.addi %add3A_242, %add3A : i32
          %select_n3A_244 = arith.select %lt3A_238, %add3A_241, %add3A_243 : i32
          %mul3A_245 = arith.constant 128 : i32
          %mul3A_246 = arith.muli %select_n3A_244, %mul3A_245 : i32
          %dma_start3A_247 = arith.constant 1 : i32
          %dma_start3A_248 = arith.constant 1 : i32
          %dma_start3A_249 = arith.constant 0 : i32
          %dma_start3A_250 = arith.constant 0 : i32
          %dma_start3A_251 = tpu.memref_slice %arg5[%dma_start3A_247, %dma_start3A_249, %dma_start3A_250] : memref<5x128x128xf32, #tpu.memory_space<vmem>> -> memref<1x128x128xf32, #tpu.memory_space<vmem>>
          %dma_start3A_252 = tpu.memref_squeeze %dma_start3A_251 : memref<1x128x128xf32, #tpu.memory_space<vmem>> -> memref<128x128xf32, #tpu.memory_space<vmem>>
          %dma_start3A_253 = arith.constant 0 : i32
          %dma_start3A_254 = tpu.memref_slice %arg2[%mul3A_246, %dma_start3A_253] : memref<320000x128xf32, #tpu.memory_space<hbm>> -> memref<128x128xf32, #tpu.memory_space<hbm>>
          %dma_start3A_255 = tpu.memref_slice %arg8[%dma_start3A_248] : memref<5x!tpu.dma_semaphore, #tpu.memory_space<semaphore_mem>> -> memref<1x!tpu.dma_semaphore, #tpu.memory_space<semaphore_mem>>
          %dma_start3A_256 = tpu.memref_squeeze %dma_start3A_255 : memref<1x!tpu.dma_semaphore, #tpu.memory_space<semaphore_mem>> -> memref<!tpu.dma_semaphore, #tpu.memory_space<semaphore_mem>>
          %dma_start3A_257 = arith.constant 0 : i32
          %dma_start3A_258 = arith.constant 0 : i32
          %dma_start3A_259 = tpu.memref_slice %arg5[%dma_start3A_247, %dma_start3A_257, %dma_start3A_258] : memref<5x128x128xf32, #tpu.memory_space<vmem>> -> memref<1x128x128xf32, #tpu.memory_space<vmem>>
          %dma_start3A_260 = tpu.memref_squeeze %dma_start3A_259 : memref<1x128x128xf32, #tpu.memory_space<vmem>> -> memref<128x128xf32, #tpu.memory_space<vmem>>
          %dma_start3A_261 = arith.constant 0 : i32
          %dma_start3A_262 = tpu.memref_slice %arg2[%mul3A_246, %dma_start3A_261] : memref<320000x128xf32, #tpu.memory_space<hbm>> -> memref<128x128xf32, #tpu.memory_space<hbm>>
          tpu.enqueue_dma source(%dma_start3A_262 : memref<128x128xf32, #tpu.memory_space<hbm>>) target(%dma_start3A_260 : memref<128x128xf32, #tpu.memory_space<vmem>>) target_semaphore(%dma_start3A_256 : memref<!tpu.dma_semaphore, #tpu.memory_space<semaphore_mem>>)
          %mul3A_263 = arith.constant 1 : i32
          %mul3A_264 = arith.muli %select_n3A_244, %mul3A_263 : i32
          %dma_start3A_265 = arith.constant 1 : i32
          %dma_start3A_266 = arith.constant 1 : i32
          %dma_start3A_267 = arith.constant 0 : i32
          %dma_start3A_268 = arith.constant 0 : i32
          %dma_start3A_269 = tpu.memref_slice %arg6[%dma_start3A_265, %dma_start3A_267, %dma_start3A_268] : memref<5x1x128xi32, #tpu.memory_space<vmem>> -> memref<1x1x128xi32, #tpu.memory_space<vmem>>
          %dma_start3A_270 = tpu.memref_squeeze %dma_start3A_269 : memref<1x1x128xi32, #tpu.memory_space<vmem>> -> memref<1x128xi32, #tpu.memory_space<vmem>>
          %dma_start3A_271 = arith.constant 0 : i32
          %dma_start3A_272 = tpu.memref_slice %arg3[%mul3A_264, %dma_start3A_271] : memref<2500x128xi32, #tpu.memory_space<hbm>> -> memref<1x128xi32, #tpu.memory_space<hbm>>
          %dma_start3A_273 = tpu.memref_slice %arg8[%dma_start3A_266] : memref<5x!tpu.dma_semaphore, #tpu.memory_space<semaphore_mem>> -> memref<1x!tpu.dma_semaphore, #tpu.memory_space<semaphore_mem>>
          %dma_start3A_274 = tpu.memref_squeeze %dma_start3A_273 : memref<1x!tpu.dma_semaphore, #tpu.memory_space<semaphore_mem>> -> memref<!tpu.dma_semaphore, #tpu.memory_space<semaphore_mem>>
          %dma_start3A_275 = arith.constant 0 : i32
          %dma_start3A_276 = arith.constant 0 : i32
          %dma_start3A_277 = tpu.memref_slice %arg6[%dma_start3A_265, %dma_start3A_275, %dma_start3A_276] : memref<5x1x128xi32, #tpu.memory_space<vmem>> -> memref<1x1x128xi32, #tpu.memory_space<vmem>>
          %dma_start3A_278 = tpu.memref_squeeze %dma_start3A_277 : memref<1x1x128xi32, #tpu.memory_space<vmem>> -> memref<1x128xi32, #tpu.memory_space<vmem>>
          %dma_start3A_279 = arith.constant 0 : i32
          %dma_start3A_280 = tpu.memref_slice %arg3[%mul3A_264, %dma_start3A_279] : memref<2500x128xi32, #tpu.memory_space<hbm>> -> memref<1x128xi32, #tpu.memory_space<hbm>>
          tpu.enqueue_dma source(%dma_start3A_280 : memref<1x128xi32, #tpu.memory_space<hbm>>) target(%dma_start3A_278 : memref<1x128xi32, #tpu.memory_space<vmem>>) target_semaphore(%dma_start3A_274 : memref<!tpu.dma_semaphore, #tpu.memory_space<semaphore_mem>>)
        } else {
        }
        %run_scoped3A_232 = arith.constant 3 : i32
        %run_scoped3A_233 = arith.constant 3 : i32
        %run_scoped3A_234 = arith.constant 0 : i32
        "tpu.region"() ({
          %run_scoped3A_235 = tpu.sem_alloc : memref<!tpu.dma_semaphore, #tpu.memory_space<semaphore_mem>>
          %dma_start3A_236 = arith.constant 0 : i32
          %dma_start3A_237 = arith.constant 0 : i32
          %dma_start3A_238 = tpu.memref_slice %arg5[%run_scoped3A_232, %dma_start3A_236, %dma_start3A_237] : memref<5x128x128xf32, #tpu.memory_space<vmem>> -> memref<1x128x128xf32, #tpu.memory_space<vmem>>
          %dma_start3A_239 = tpu.memref_squeeze %dma_start3A_238 : memref<1x128x128xf32, #tpu.memory_space<vmem>> -> memref<128x128xf32, #tpu.memory_space<vmem>>
          %dma_start3A_240 = arith.constant 0 : i32
          %dma_start3A_241 = tpu.memref_slice %arg6[%run_scoped3A_233, %run_scoped3A_234, %dma_start3A_240] : memref<5x1x128xi32, #tpu.memory_space<vmem>> -> memref<1x1x128xi32, #tpu.memory_space<vmem>>
          %dma_start3A_242 = tpu.memref_squeeze %dma_start3A_241 : memref<1x1x128xi32, #tpu.memory_space<vmem>> -> memref<128xi32, #tpu.memory_space<vmem>>
          %dma_start3A_243 = arith.constant 0 : i32
          %dma_start3A_244 = arith.constant 0 : i32
          %dma_start3A_245 = tpu.memref_slice %arg7[%dma_start3A_243, %dma_start3A_244] : memref<2048x128xf32, #tpu.memory_space<vmem_shared>> -> memref<2048x128xf32, #tpu.memory_space<vmem_shared>>
          tpu.enqueue_indirect_dma source(%dma_start3A_239 : memref<128x128xf32, #tpu.memory_space<vmem>>) target(%dma_start3A_245 : memref<2048x128xf32, #tpu.memory_space<vmem_shared>>) offsets(%dma_start3A_242 : memref<128xi32, #tpu.memory_space<vmem>>) semaphore(%run_scoped3A_235 : memref<!tpu.dma_semaphore, #tpu.memory_space<semaphore_mem>>) {add = true}
          %dma_wait3A_246 = arith.constant 0 : i32
          %dma_wait3A_247 = arith.constant 0 : i32
          %dma_wait3A_248 = tpu.memref_slice %arg5[%run_scoped3A_232, %dma_wait3A_246, %dma_wait3A_247] : memref<5x128x128xf32, #tpu.memory_space<vmem>> -> memref<1x128x128xf32, #tpu.memory_space<vmem>>
          %dma_wait3A_249 = tpu.memref_squeeze %dma_wait3A_248 : memref<1x128x128xf32, #tpu.memory_space<vmem>> -> memref<128x128xf32, #tpu.memory_space<vmem>>
          %dma_wait3A_250 = arith.constant 0 : i32
          %dma_wait3A_251 = tpu.memref_slice %arg6[%run_scoped3A_233, %run_scoped3A_234, %dma_wait3A_250] : memref<5x1x128xi32, #tpu.memory_space<vmem>> -> memref<1x1x128xi32, #tpu.memory_space<vmem>>
          %dma_wait3A_252 = tpu.memref_squeeze %dma_wait3A_251 : memref<1x1x128xi32, #tpu.memory_space<vmem>> -> memref<128xi32, #tpu.memory_space<vmem>>
          %dma_wait3A_253 = arith.constant 0 : i32
          %dma_wait3A_254 = arith.constant 0 : i32
          %dma_wait3A_255 = tpu.memref_slice %arg7[%dma_wait3A_253, %dma_wait3A_254] : memref<2048x128xf32, #tpu.memory_space<vmem_shared>> -> memref<2048x128xf32, #tpu.memory_space<vmem_shared>>
          tpu.wait_indirect_dma semaphore(%run_scoped3A_235 : memref<!tpu.dma_semaphore, #tpu.memory_space<semaphore_mem>>) src(%dma_wait3A_249 : memref<128x128xf32, #tpu.memory_space<vmem>>) dst(%dma_wait3A_255 : memref<2048x128xf32, #tpu.memory_space<vmem_shared>>)
          tpu.yield
        }) : () -> ()
      } else {
      }
      %mul3A_182 = arith.constant 5 : i32
      %mul3A_183 = arith.muli %mul3A_182, %scan3A_150 : i32
      %add3A_184 = arith.constant 4 : i32
      %add3A_185 = arith.addi %mul3A_183, %add3A_184 : i32
      %lt3A_186 = arith.cmpi slt, %add3A_185, %select_n3A : i32
      %convert_element_type3A_187 = arith.extui %lt3A_186 : i1 to i32
      %cond3A_188 = arith.constant 0 : i32
      %cond3A_189 = arith.cmpi ne, %convert_element_type3A_187, %cond3A_188 : i32
      scf.if %cond3A_189 {
        %dma_wait3A = arith.constant 4 : i32
        %dma_wait3A_191 = arith.constant 4 : i32
        %dma_wait3A_192 = arith.constant 0 : i32
        %dma_wait3A_193 = arith.constant 0 : i32
        %dma_wait3A_194 = tpu.memref_slice %arg5[%dma_wait3A, %dma_wait3A_192, %dma_wait3A_193] : memref<5x128x128xf32, #tpu.memory_space<vmem>> -> memref<1x128x128xf32, #tpu.memory_space<vmem>>
        %dma_wait3A_195 = tpu.memref_squeeze %dma_wait3A_194 : memref<1x128x128xf32, #tpu.memory_space<vmem>> -> memref<128x128xf32, #tpu.memory_space<vmem>>
        %dma_wait3A_196 = arith.constant 0 : i32
        %dma_wait3A_197 = arith.constant 0 : i32
        %dma_wait3A_198 = tpu.memref_slice %arg2[%dma_wait3A_196, %dma_wait3A_197] : memref<320000x128xf32, #tpu.memory_space<hbm>> -> memref<128x128xf32, #tpu.memory_space<hbm>>
        %dma_wait3A_199 = tpu.memref_slice %arg8[%dma_wait3A_191] : memref<5x!tpu.dma_semaphore, #tpu.memory_space<semaphore_mem>> -> memref<1x!tpu.dma_semaphore, #tpu.memory_space<semaphore_mem>>
        %dma_wait3A_200 = tpu.memref_squeeze %dma_wait3A_199 : memref<1x!tpu.dma_semaphore, #tpu.memory_space<semaphore_mem>> -> memref<!tpu.dma_semaphore, #tpu.memory_space<semaphore_mem>>
        %dma_wait3A_201 = arith.constant 0 : i32
        %dma_wait3A_202 = arith.constant 0 : i32
        %dma_wait3A_203 = tpu.memref_slice %arg5[%dma_wait3A, %dma_wait3A_201, %dma_wait3A_202] : memref<5x128x128xf32, #tpu.memory_space<vmem>> -> memref<1x128x128xf32, #tpu.memory_space<vmem>>
        %dma_wait3A_204 = tpu.memref_squeeze %dma_wait3A_203 : memref<1x128x128xf32, #tpu.memory_space<vmem>> -> memref<128x128xf32, #tpu.memory_space<vmem>>
        %dma_wait3A_205 = arith.constant 0 : i32
        %dma_wait3A_206 = arith.constant 0 : i32
        %dma_wait3A_207 = tpu.memref_slice %arg2[%dma_wait3A_205, %dma_wait3A_206] : memref<320000x128xf32, #tpu.memory_space<hbm>> -> memref<128x128xf32, #tpu.memory_space<hbm>>
        tpu.wait_dma2 semaphore(%dma_wait3A_200 : memref<!tpu.dma_semaphore, #tpu.memory_space<semaphore_mem>>) src(%dma_wait3A_207 : memref<128x128xf32, #tpu.memory_space<hbm>>) dst(%dma_wait3A_204 : memref<128x128xf32, #tpu.memory_space<vmem>>)
        %dma_wait3A_208 = arith.constant 4 : i32
        %dma_wait3A_209 = arith.constant 4 : i32
        %dma_wait3A_210 = arith.constant 0 : i32
        %dma_wait3A_211 = arith.constant 0 : i32
        %dma_wait3A_212 = tpu.memref_slice %arg6[%dma_wait3A_208, %dma_wait3A_210, %dma_wait3A_211] : memref<5x1x128xi32, #tpu.memory_space<vmem>> -> memref<1x1x128xi32, #tpu.memory_space<vmem>>
        %dma_wait3A_213 = tpu.memref_squeeze %dma_wait3A_212 : memref<1x1x128xi32, #tpu.memory_space<vmem>> -> memref<1x128xi32, #tpu.memory_space<vmem>>
        %dma_wait3A_214 = arith.constant 0 : i32
        %dma_wait3A_215 = arith.constant 0 : i32
        %dma_wait3A_216 = tpu.memref_slice %arg3[%dma_wait3A_214, %dma_wait3A_215] : memref<2500x128xi32, #tpu.memory_space<hbm>> -> memref<1x128xi32, #tpu.memory_space<hbm>>
        %dma_wait3A_217 = tpu.memref_slice %arg8[%dma_wait3A_209] : memref<5x!tpu.dma_semaphore, #tpu.memory_space<semaphore_mem>> -> memref<1x!tpu.dma_semaphore, #tpu.memory_space<semaphore_mem>>
        %dma_wait3A_218 = tpu.memref_squeeze %dma_wait3A_217 : memref<1x!tpu.dma_semaphore, #tpu.memory_space<semaphore_mem>> -> memref<!tpu.dma_semaphore, #tpu.memory_space<semaphore_mem>>
        %dma_wait3A_219 = arith.constant 0 : i32
        %dma_wait3A_220 = arith.constant 0 : i32
        %dma_wait3A_221 = tpu.memref_slice %arg6[%dma_wait3A_208, %dma_wait3A_219, %dma_wait3A_220] : memref<5x1x128xi32, #tpu.memory_space<vmem>> -> memref<1x1x128xi32, #tpu.memory_space<vmem>>
        %dma_wait3A_222 = tpu.memref_squeeze %dma_wait3A_221 : memref<1x1x128xi32, #tpu.memory_space<vmem>> -> memref<1x128xi32, #tpu.memory_space<vmem>>
        %dma_wait3A_223 = arith.constant 0 : i32
        %dma_wait3A_224 = arith.constant 0 : i32
        %dma_wait3A_225 = tpu.memref_slice %arg3[%dma_wait3A_223, %dma_wait3A_224] : memref<2500x128xi32, #tpu.memory_space<hbm>> -> memref<1x128xi32, #tpu.memory_space<hbm>>
        tpu.wait_dma2 semaphore(%dma_wait3A_218 : memref<!tpu.dma_semaphore, #tpu.memory_space<semaphore_mem>>) src(%dma_wait3A_225 : memref<1x128xi32, #tpu.memory_space<hbm>>) dst(%dma_wait3A_222 : memref<1x128xi32, #tpu.memory_space<vmem>>)
        %add3A_226 = arith.constant 3 : i32
        %add3A_227 = arith.addi %add3A_185, %add3A_226 : i32
        %lt3A_228 = arith.cmpi slt, %add3A_227, %select_n3A : i32
        %convert_element_type3A_229 = arith.extui %lt3A_228 : i1 to i32
        %cond3A_230 = arith.constant 0 : i32
        %cond3A_231 = arith.cmpi ne, %convert_element_type3A_229, %cond3A_230 : i32
        scf.if %cond3A_231 {
          %add3A_235 = arith.constant 3 : i32
          %add3A_236 = arith.addi %add3A_185, %add3A_235 : i32
          %lt3A_237 = arith.constant 78 : i32
          %lt3A_238 = arith.cmpi slt, %add3A_236, %lt3A_237 : i32
          %mul3A_239 = arith.constant 32 : i32
          %mul3A_240 = arith.muli %mul3A_239, %add3A_236 : i32
          %add3A_241 = arith.addi %add3A, %mul3A_240 : i32
          %add3A_242 = arith.constant 2496 : i32
          %add3A_243 = arith.addi %add3A_242, %add3A : i32
          %select_n3A_244 = arith.select %lt3A_238, %add3A_241, %add3A_243 : i32
          %mul3A_245 = arith.constant 128 : i32
          %mul3A_246 = arith.muli %select_n3A_244, %mul3A_245 : i32
          %dma_start3A_247 = arith.constant 2 : i32
          %dma_start3A_248 = arith.constant 2 : i32
          %dma_start3A_249 = arith.constant 0 : i32
          %dma_start3A_250 = arith.constant 0 : i32
          %dma_start3A_251 = tpu.memref_slice %arg5[%dma_start3A_247, %dma_start3A_249, %dma_start3A_250] : memref<5x128x128xf32, #tpu.memory_space<vmem>> -> memref<1x128x128xf32, #tpu.memory_space<vmem>>
          %dma_start3A_252 = tpu.memref_squeeze %dma_start3A_251 : memref<1x128x128xf32, #tpu.memory_space<vmem>> -> memref<128x128xf32, #tpu.memory_space<vmem>>
          %dma_start3A_253 = arith.constant 0 : i32
          %dma_start3A_254 = tpu.memref_slice %arg2[%mul3A_246, %dma_start3A_253] : memref<320000x128xf32, #tpu.memory_space<hbm>> -> memref<128x128xf32, #tpu.memory_space<hbm>>
          %dma_start3A_255 = tpu.memref_slice %arg8[%dma_start3A_248] : memref<5x!tpu.dma_semaphore, #tpu.memory_space<semaphore_mem>> -> memref<1x!tpu.dma_semaphore, #tpu.memory_space<semaphore_mem>>
          %dma_start3A_256 = tpu.memref_squeeze %dma_start3A_255 : memref<1x!tpu.dma_semaphore, #tpu.memory_space<semaphore_mem>> -> memref<!tpu.dma_semaphore, #tpu.memory_space<semaphore_mem>>
          %dma_start3A_257 = arith.constant 0 : i32
          %dma_start3A_258 = arith.constant 0 : i32
          %dma_start3A_259 = tpu.memref_slice %arg5[%dma_start3A_247, %dma_start3A_257, %dma_start3A_258] : memref<5x128x128xf32, #tpu.memory_space<vmem>> -> memref<1x128x128xf32, #tpu.memory_space<vmem>>
          %dma_start3A_260 = tpu.memref_squeeze %dma_start3A_259 : memref<1x128x128xf32, #tpu.memory_space<vmem>> -> memref<128x128xf32, #tpu.memory_space<vmem>>
          %dma_start3A_261 = arith.constant 0 : i32
          %dma_start3A_262 = tpu.memref_slice %arg2[%mul3A_246, %dma_start3A_261] : memref<320000x128xf32, #tpu.memory_space<hbm>> -> memref<128x128xf32, #tpu.memory_space<hbm>>
          tpu.enqueue_dma source(%dma_start3A_262 : memref<128x128xf32, #tpu.memory_space<hbm>>) target(%dma_start3A_260 : memref<128x128xf32, #tpu.memory_space<vmem>>) target_semaphore(%dma_start3A_256 : memref<!tpu.dma_semaphore, #tpu.memory_space<semaphore_mem>>)
          %mul3A_263 = arith.constant 1 : i32
          %mul3A_264 = arith.muli %select_n3A_244, %mul3A_263 : i32
          %dma_start3A_265 = arith.constant 2 : i32
          %dma_start3A_266 = arith.constant 2 : i32
          %dma_start3A_267 = arith.constant 0 : i32
          %dma_start3A_268 = arith.constant 0 : i32
          %dma_start3A_269 = tpu.memref_slice %arg6[%dma_start3A_265, %dma_start3A_267, %dma_start3A_268] : memref<5x1x128xi32, #tpu.memory_space<vmem>> -> memref<1x1x128xi32, #tpu.memory_space<vmem>>
          %dma_start3A_270 = tpu.memref_squeeze %dma_start3A_269 : memref<1x1x128xi32, #tpu.memory_space<vmem>> -> memref<1x128xi32, #tpu.memory_space<vmem>>
          %dma_start3A_271 = arith.constant 0 : i32
          %dma_start3A_272 = tpu.memref_slice %arg3[%mul3A_264, %dma_start3A_271] : memref<2500x128xi32, #tpu.memory_space<hbm>> -> memref<1x128xi32, #tpu.memory_space<hbm>>
          %dma_start3A_273 = tpu.memref_slice %arg8[%dma_start3A_266] : memref<5x!tpu.dma_semaphore, #tpu.memory_space<semaphore_mem>> -> memref<1x!tpu.dma_semaphore, #tpu.memory_space<semaphore_mem>>
          %dma_start3A_274 = tpu.memref_squeeze %dma_start3A_273 : memref<1x!tpu.dma_semaphore, #tpu.memory_space<semaphore_mem>> -> memref<!tpu.dma_semaphore, #tpu.memory_space<semaphore_mem>>
          %dma_start3A_275 = arith.constant 0 : i32
          %dma_start3A_276 = arith.constant 0 : i32
          %dma_start3A_277 = tpu.memref_slice %arg6[%dma_start3A_265, %dma_start3A_275, %dma_start3A_276] : memref<5x1x128xi32, #tpu.memory_space<vmem>> -> memref<1x1x128xi32, #tpu.memory_space<vmem>>
          %dma_start3A_278 = tpu.memref_squeeze %dma_start3A_277 : memref<1x1x128xi32, #tpu.memory_space<vmem>> -> memref<1x128xi32, #tpu.memory_space<vmem>>
          %dma_start3A_279 = arith.constant 0 : i32
          %dma_start3A_280 = tpu.memref_slice %arg3[%mul3A_264, %dma_start3A_279] : memref<2500x128xi32, #tpu.memory_space<hbm>> -> memref<1x128xi32, #tpu.memory_space<hbm>>
          tpu.enqueue_dma source(%dma_start3A_280 : memref<1x128xi32, #tpu.memory_space<hbm>>) target(%dma_start3A_278 : memref<1x128xi32, #tpu.memory_space<vmem>>) target_semaphore(%dma_start3A_274 : memref<!tpu.dma_semaphore, #tpu.memory_space<semaphore_mem>>)
        } else {
        }
        %run_scoped3A_232 = arith.constant 4 : i32
        %run_scoped3A_233 = arith.constant 4 : i32
        %run_scoped3A_234 = arith.constant 0 : i32
        "tpu.region"() ({
          %run_scoped3A_235 = tpu.sem_alloc : memref<!tpu.dma_semaphore, #tpu.memory_space<semaphore_mem>>
          %dma_start3A_236 = arith.constant 0 : i32
          %dma_start3A_237 = arith.constant 0 : i32
          %dma_start3A_238 = tpu.memref_slice %arg5[%run_scoped3A_232, %dma_start3A_236, %dma_start3A_237] : memref<5x128x128xf32, #tpu.memory_space<vmem>> -> memref<1x128x128xf32, #tpu.memory_space<vmem>>
          %dma_start3A_239 = tpu.memref_squeeze %dma_start3A_238 : memref<1x128x128xf32, #tpu.memory_space<vmem>> -> memref<128x128xf32, #tpu.memory_space<vmem>>
          %dma_start3A_240 = arith.constant 0 : i32
          %dma_start3A_241 = tpu.memref_slice %arg6[%run_scoped3A_233, %run_scoped3A_234, %dma_start3A_240] : memref<5x1x128xi32, #tpu.memory_space<vmem>> -> memref<1x1x128xi32, #tpu.memory_space<vmem>>
          %dma_start3A_242 = tpu.memref_squeeze %dma_start3A_241 : memref<1x1x128xi32, #tpu.memory_space<vmem>> -> memref<128xi32, #tpu.memory_space<vmem>>
          %dma_start3A_243 = arith.constant 0 : i32
          %dma_start3A_244 = arith.constant 0 : i32
          %dma_start3A_245 = tpu.memref_slice %arg7[%dma_start3A_243, %dma_start3A_244] : memref<2048x128xf32, #tpu.memory_space<vmem_shared>> -> memref<2048x128xf32, #tpu.memory_space<vmem_shared>>
          tpu.enqueue_indirect_dma source(%dma_start3A_239 : memref<128x128xf32, #tpu.memory_space<vmem>>) target(%dma_start3A_245 : memref<2048x128xf32, #tpu.memory_space<vmem_shared>>) offsets(%dma_start3A_242 : memref<128xi32, #tpu.memory_space<vmem>>) semaphore(%run_scoped3A_235 : memref<!tpu.dma_semaphore, #tpu.memory_space<semaphore_mem>>) {add = true}
          %dma_wait3A_246 = arith.constant 0 : i32
          %dma_wait3A_247 = arith.constant 0 : i32
          %dma_wait3A_248 = tpu.memref_slice %arg5[%run_scoped3A_232, %dma_wait3A_246, %dma_wait3A_247] : memref<5x128x128xf32, #tpu.memory_space<vmem>> -> memref<1x128x128xf32, #tpu.memory_space<vmem>>
          %dma_wait3A_249 = tpu.memref_squeeze %dma_wait3A_248 : memref<1x128x128xf32, #tpu.memory_space<vmem>> -> memref<128x128xf32, #tpu.memory_space<vmem>>
          %dma_wait3A_250 = arith.constant 0 : i32
          %dma_wait3A_251 = tpu.memref_slice %arg6[%run_scoped3A_233, %run_scoped3A_234, %dma_wait3A_250] : memref<5x1x128xi32, #tpu.memory_space<vmem>> -> memref<1x1x128xi32, #tpu.memory_space<vmem>>
          %dma_wait3A_252 = tpu.memref_squeeze %dma_wait3A_251 : memref<1x1x128xi32, #tpu.memory_space<vmem>> -> memref<128xi32, #tpu.memory_space<vmem>>
          %dma_wait3A_253 = arith.constant 0 : i32
          %dma_wait3A_254 = arith.constant 0 : i32
          %dma_wait3A_255 = tpu.memref_slice %arg7[%dma_wait3A_253, %dma_wait3A_254] : memref<2048x128xf32, #tpu.memory_space<vmem_shared>> -> memref<2048x128xf32, #tpu.memory_space<vmem_shared>>
          tpu.wait_indirect_dma semaphore(%run_scoped3A_235 : memref<!tpu.dma_semaphore, #tpu.memory_space<semaphore_mem>>) src(%dma_wait3A_249 : memref<128x128xf32, #tpu.memory_space<vmem>>) dst(%dma_wait3A_255 : memref<2048x128xf32, #tpu.memory_space<vmem_shared>>)
          tpu.yield
        }) : () -> ()
      } else {
      }
      %scan3A_190 = arith.constant 0 : i32
      scf.yield %scan3A_190 : i32
    }
    %scan3A_142 = arith.constant 16 : i32
    %barrier3A_143 = arith.constant 0 : index
    tpu.barrier barrier_id(%barrier3A_143)
    %mul3A_144 = arith.constant 128 : i32
    %mul3A_145 = arith.muli %arg1, %mul3A_144 : i32
    %run_scoped3A_146 = arith.constant 0 : i32
    "tpu.region"() ({
      %run_scoped3A_150 = tpu.sem_alloc : memref<!tpu.dma_semaphore, #tpu.memory_space<semaphore_mem>>
      %dma_start3A_151 = arith.constant 0 : i32
      %dma_start3A_152 = arith.constant 0 : i32
      %dma_start3A_153 = tpu.memref_slice %arg5[%run_scoped3A_146, %dma_start3A_151, %dma_start3A_152] : memref<5x128x128xf32, #tpu.memory_space<vmem>> -> memref<1x128x128xf32, #tpu.memory_space<vmem>>
      %dma_start3A_154 = tpu.memref_squeeze %dma_start3A_153 : memref<1x128x128xf32, #tpu.memory_space<vmem>> -> memref<128x128xf32, #tpu.memory_space<vmem>>
      %dma_start3A_155 = arith.constant 0 : i32
      %dma_start3A_156 = tpu.memref_slice %arg7[%mul3A_145, %dma_start3A_155] : memref<2048x128xf32, #tpu.memory_space<vmem_shared>> -> memref<128x128xf32, #tpu.memory_space<vmem_shared>>
      %dma_start3A_157 = arith.constant 0 : i32
      %dma_start3A_158 = arith.constant 0 : i32
      %dma_start3A_159 = tpu.memref_slice %arg5[%run_scoped3A_146, %dma_start3A_157, %dma_start3A_158] : memref<5x128x128xf32, #tpu.memory_space<vmem>> -> memref<1x128x128xf32, #tpu.memory_space<vmem>>
      %dma_start3A_160 = tpu.memref_squeeze %dma_start3A_159 : memref<1x128x128xf32, #tpu.memory_space<vmem>> -> memref<128x128xf32, #tpu.memory_space<vmem>>
      %dma_start3A_161 = arith.constant 0 : i32
      %dma_start3A_162 = tpu.memref_slice %arg7[%mul3A_145, %dma_start3A_161] : memref<2048x128xf32, #tpu.memory_space<vmem_shared>> -> memref<128x128xf32, #tpu.memory_space<vmem_shared>>
      tpu.enqueue_dma source(%dma_start3A_162 : memref<128x128xf32, #tpu.memory_space<vmem_shared>>) target(%dma_start3A_160 : memref<128x128xf32, #tpu.memory_space<vmem>>) target_semaphore(%run_scoped3A_150 : memref<!tpu.dma_semaphore, #tpu.memory_space<semaphore_mem>>)
      %dma_wait3A = arith.constant 0 : i32
      %dma_wait3A_163 = arith.constant 0 : i32
      %dma_wait3A_164 = tpu.memref_slice %arg5[%run_scoped3A_146, %dma_wait3A, %dma_wait3A_163] : memref<5x128x128xf32, #tpu.memory_space<vmem>> -> memref<1x128x128xf32, #tpu.memory_space<vmem>>
      %dma_wait3A_165 = tpu.memref_squeeze %dma_wait3A_164 : memref<1x128x128xf32, #tpu.memory_space<vmem>> -> memref<128x128xf32, #tpu.memory_space<vmem>>
      %dma_wait3A_166 = arith.constant 0 : i32
      %dma_wait3A_167 = tpu.memref_slice %arg7[%mul3A_145, %dma_wait3A_166] : memref<2048x128xf32, #tpu.memory_space<vmem_shared>> -> memref<128x128xf32, #tpu.memory_space<vmem_shared>>
      %dma_wait3A_168 = arith.constant 0 : i32
      %dma_wait3A_169 = arith.constant 0 : i32
      %dma_wait3A_170 = tpu.memref_slice %arg5[%run_scoped3A_146, %dma_wait3A_168, %dma_wait3A_169] : memref<5x128x128xf32, #tpu.memory_space<vmem>> -> memref<1x128x128xf32, #tpu.memory_space<vmem>>
      %dma_wait3A_171 = tpu.memref_squeeze %dma_wait3A_170 : memref<1x128x128xf32, #tpu.memory_space<vmem>> -> memref<128x128xf32, #tpu.memory_space<vmem>>
      %dma_wait3A_172 = arith.constant 0 : i32
      %dma_wait3A_173 = tpu.memref_slice %arg7[%mul3A_145, %dma_wait3A_172] : memref<2048x128xf32, #tpu.memory_space<vmem_shared>> -> memref<128x128xf32, #tpu.memory_space<vmem_shared>>
      tpu.wait_dma2 semaphore(%run_scoped3A_150 : memref<!tpu.dma_semaphore, #tpu.memory_space<semaphore_mem>>) src(%dma_wait3A_173 : memref<128x128xf32, #tpu.memory_space<vmem_shared>>) dst(%dma_wait3A_171 : memref<128x128xf32, #tpu.memory_space<vmem>>)
      tpu.yield
    }) : () -> ()
    %mul3A_147 = arith.constant 128 : i32
    %mul3A_148 = arith.muli %arg1, %mul3A_147 : i32
    %run_scoped3A_149 = arith.constant 0 : i32
    "tpu.region"() ({
      %run_scoped3A_150 = tpu.sem_alloc : memref<!tpu.dma_semaphore, #tpu.memory_space<semaphore_mem>>
      %dma_start3A_151 = arith.constant 0 : i32
      %dma_start3A_152 = arith.constant 0 : i32
      %dma_start3A_153 = tpu.memref_slice %arg5[%run_scoped3A_149, %dma_start3A_151, %dma_start3A_152] : memref<5x128x128xf32, #tpu.memory_space<vmem>> -> memref<1x128x128xf32, #tpu.memory_space<vmem>>
      %dma_start3A_154 = tpu.memref_squeeze %dma_start3A_153 : memref<1x128x128xf32, #tpu.memory_space<vmem>> -> memref<128x128xf32, #tpu.memory_space<vmem>>
      %dma_start3A_155 = arith.constant 0 : i32
      %dma_start3A_156 = tpu.memref_slice %arg4[%arg0, %mul3A_148, %dma_start3A_155] : memref<2x2048x128xf32, #tpu.memory_space<hbm>> -> memref<1x128x128xf32, #tpu.memory_space<hbm>>
      %dma_start3A_157 = tpu.memref_squeeze %dma_start3A_156 : memref<1x128x128xf32, #tpu.memory_space<hbm>> -> memref<128x128xf32, #tpu.memory_space<hbm>>
      %dma_start3A_158 = arith.constant 0 : i32
      %dma_start3A_159 = tpu.memref_slice %arg4[%arg0, %mul3A_148, %dma_start3A_158] : memref<2x2048x128xf32, #tpu.memory_space<hbm>> -> memref<1x128x128xf32, #tpu.memory_space<hbm>>
      %dma_start3A_160 = tpu.memref_squeeze %dma_start3A_159 : memref<1x128x128xf32, #tpu.memory_space<hbm>> -> memref<128x128xf32, #tpu.memory_space<hbm>>
      %dma_start3A_161 = arith.constant 0 : i32
      %dma_start3A_162 = arith.constant 0 : i32
      %dma_start3A_163 = tpu.memref_slice %arg5[%run_scoped3A_149, %dma_start3A_161, %dma_start3A_162] : memref<5x128x128xf32, #tpu.memory_space<vmem>> -> memref<1x128x128xf32, #tpu.memory_space<vmem>>
      %dma_start3A_164 = tpu.memref_squeeze %dma_start3A_163 : memref<1x128x128xf32, #tpu.memory_space<vmem>> -> memref<128x128xf32, #tpu.memory_space<vmem>>
      tpu.enqueue_dma source(%dma_start3A_164 : memref<128x128xf32, #tpu.memory_space<vmem>>) target(%dma_start3A_160 : memref<128x128xf32, #tpu.memory_space<hbm>>) target_semaphore(%run_scoped3A_150 : memref<!tpu.dma_semaphore, #tpu.memory_space<semaphore_mem>>)
      %dma_wait3A = arith.constant 0 : i32
      %dma_wait3A_165 = arith.constant 0 : i32
      %dma_wait3A_166 = tpu.memref_slice %arg5[%run_scoped3A_149, %dma_wait3A, %dma_wait3A_165] : memref<5x128x128xf32, #tpu.memory_space<vmem>> -> memref<1x128x128xf32, #tpu.memory_space<vmem>>
      %dma_wait3A_167 = tpu.memref_squeeze %dma_wait3A_166 : memref<1x128x128xf32, #tpu.memory_space<vmem>> -> memref<128x128xf32, #tpu.memory_space<vmem>>
      %dma_wait3A_168 = arith.constant 0 : i32
      %dma_wait3A_169 = tpu.memref_slice %arg4[%arg0, %mul3A_148, %dma_wait3A_168] : memref<2x2048x128xf32, #tpu.memory_space<hbm>> -> memref<1x128x128xf32, #tpu.memory_space<hbm>>
      %dma_wait3A_170 = tpu.memref_squeeze %dma_wait3A_169 : memref<1x128x128xf32, #tpu.memory_space<hbm>> -> memref<128x128xf32, #tpu.memory_space<hbm>>
      %dma_wait3A_171 = arith.constant 0 : i32
      %dma_wait3A_172 = tpu.memref_slice %arg4[%arg0, %mul3A_148, %dma_wait3A_171] : memref<2x2048x128xf32, #tpu.memory_space<hbm>> -> memref<1x128x128xf32, #tpu.memory_space<hbm>>
      %dma_wait3A_173 = tpu.memref_squeeze %dma_wait3A_172 : memref<1x128x128xf32, #tpu.memory_space<hbm>> -> memref<128x128xf32, #tpu.memory_space<hbm>>
      %dma_wait3A_174 = arith.constant 0 : i32
      %dma_wait3A_175 = arith.constant 0 : i32
      %dma_wait3A_176 = tpu.memref_slice %arg5[%run_scoped3A_149, %dma_wait3A_174, %dma_wait3A_175] : memref<5x128x128xf32, #tpu.memory_space<vmem>> -> memref<1x128x128xf32, #tpu.memory_space<vmem>>
      %dma_wait3A_177 = tpu.memref_squeeze %dma_wait3A_176 : memref<1x128x128xf32, #tpu.memory_space<vmem>> -> memref<128x128xf32, #tpu.memory_space<vmem>>
      tpu.wait_dma2 semaphore(%run_scoped3A_150 : memref<!tpu.dma_semaphore, #tpu.memory_space<semaphore_mem>>) src(%dma_wait3A_177 : memref<128x128xf32, #tpu.memory_space<vmem>>) dst(%dma_wait3A_173 : memref<128x128xf32, #tpu.memory_space<hbm>>)
      tpu.yield
    }) : () -> ()
    return
  }
}

module attributes {stable_mosaic.version = 14 : i64} {
  func.func @_combine_body(%arg0: memref<2x2048x128xf32, #tpu.memory_space<vmem>>, %arg1: memref<2048x128xf32, #tpu.memory_space<vmem>>) attributes {dimension_semantics = [], scalar_prefetch = 0 : i64, scratch_operands = 0 : i64, tpu.core_type = #tpu.core_type<tc>} {
    %get3A = arith.constant 0 : index
    %get3A_0 = arith.constant 0 : index
    %get3A_1 = arith.constant 0 : index
    %get3A_2 = vector.load %arg0[%get3A, %get3A_0, %get3A_1] : memref<2x2048x128xf32, #tpu.memory_space<vmem>>, vector<1x2048x128xf32>
    %get3A_3 = vector.shape_cast %get3A_2 : vector<1x2048x128xf32> to vector<2048x128xf32>
    %get3A_4 = arith.constant 1 : index
    %get3A_5 = arith.constant 0 : index
    %get3A_6 = arith.constant 0 : index
    %get3A_7 = vector.load %arg0[%get3A_4, %get3A_5, %get3A_6] : memref<2x2048x128xf32, #tpu.memory_space<vmem>>, vector<1x2048x128xf32>
    %get3A_8 = vector.shape_cast %get3A_7 : vector<1x2048x128xf32> to vector<2048x128xf32>
    %add3A = arith.addf %get3A_3, %get3A_8 : vector<2048x128xf32>
    %swap3A = arith.constant 0 : index
    %swap3A_9 = arith.constant 0 : index
    %swap3A_10 = vector.load %arg1[%swap3A, %swap3A_9] : memref<2048x128xf32, #tpu.memory_space<vmem>>, vector<2048x128xf32>
    tpu.vector_store %arg1[%swap3A, %swap3A_9], %add3A {strides = array<i32>} : memref<2048x128xf32, #tpu.memory_space<vmem>>, vector<2048x128xf32>,
    return
  }
}

</mosaic_0001>

<sc_bundles>
// kernel: kernel.4.cloned.1.call-start
scs
__scs_entry_jumppad:
0x0: {  	(pc) =	sbr.rel $0x88, $3  }
0x1: {  	(tag) =	ssettag $0x0;
	lr =	simm.s32 $0x1  }
0x2: {  	[smem:$0x3F9F] =	sst lr;
	_ =	strace $0xD0000000  }
0x3: {  	_ = 	snop  }
0x4: {  	_ = 	snop  }
0x5: {  	_ = 	snop  }
0x6: {  	_ = 	snop  }
0x7: {  	_ = 	snop  }
__scs_overlays_trampoline_lowered:
0x8: {  	[smem:$0x3FAE] =	sst s0  }
0x9: {  	[smem:$0x3FAF] =	sst s1  }
0xa: {  	[smem:$0x3FB0] =	sst s2  }
0xb: {  	[smem:$0x3FB1] =	sst s3  }
0xc: {  	[smem:$0x3FB2] =	sst s4  }
0xd: {  	[smem:$0x3FB3] =	sst s5  }
0xe: {  	[smem:$0x3FB4] =	sst s6  }
0xf: {  	[smem:$0x3FB5] =	sst s7  }
0x10: {  	[smem:$0x3FB6] =	sst s8  }
0x11: {  	[smem:$0x3FB7] =	sst s9;
	s0 =	simm.s32 @!p0 $0x0  }
0x12: {  	s1 =	sld [smem:$0x3F9D];
	s0 =	simm.s32 @p0 $0x1  }
0x13: {  	[smem:$0x3FB8] =	sst s0;
	s0 =	simm.s32 @!p1 $0x0  }
0x14: {  	s2 =	sld [smem:$0x3F9C];
	s0 =	simm.s32 @p1 $0x1  }
0x15: {  	[smem:$0x3FB9] =	sst s0;
	s0 =	simm.s32 @!p2 $0x0  }
0x16: {  	s3 =	sld [smem:$0x3FDB];
	s0 =	simm.s32 @p2 $0x1  }
0x17: {  	s4 =	simm.s32 $0x1BF5;
	[smem:$0x3FBB] =	sst s0  }
0x18: {  	s0 =	sld [smem:$0x3F9E];
	_ =	swait.ge [sflag:s4], $0x0  }
0x19: {  	s7 =	sld [smem:$0x3F9F]  }
0x1a: {  	s8 =	sadd.s32 $0xFFFFE003, lr  }
0x1b: {  	s9 =	sadd.s32 $0xFFFFFEF7, lr;
	s5 =	simm.s32 $0xFFFFFFFF;
	p2 =	slt.u32 s8, $0xFFFFF086  }
0x1c: {  	p1 =	slt.u32 s9, $0xF7A;
	s5 =	simm.s32 @!p2 $0x0  }
0x1d: {  	s5 =	simm.s32 @p1 $0x1;
	p0 =	seq.s32 s7, s2  }
0x1e: {  	s7 =	smul.u32 @!p0 $0xF7A, s2;
	p2 =	seq.s32 @!p0 s5, $0x0  }
0x1f: {  	s9 =	smul.u32 $0xF7A, s1;
	s8 =	simm.s32 @!p0 $0x1BF5;
	p2 =	por !p2, p0  }
0x20: {  	[sflag:s8] =	ssyncset.s32 @!p0 $0xFFFFF086;
	s6 =	sadd.s32 @!p0 s3, s7;
	s7 =	simm.s32 @!p0 $0x108  }
0x21: {  	s3 =	sadd.s32 s3, s9;
	s6 =	sadd.s32 @!p0 $0x88, s6;
	s7 =	simm.s32 @p2 $0x1082  }
0x22: {  	[simem:s7], [sflag:s8] =	dma.local @!p0 [hbm:s6], $0xF7A  }
0x23: {  	s9 =	sor.u32 $0xD0000000, s2;
	s6 =	simm.s32 $0x108;
	_ =	swait.ge @!p0 [sflag:s8], $0x0  }
0x24: {  	s3 =	sadd.s32 $0x88, s3;
	s6 =	simm.s32 @!p1 $0x1082;
	[sflag:s4] =	ssyncset.s32 $0xFFFFF086  }
0x25: {  	[simem:s6], [sflag:s4] =	dma.local [hbm:s3], $0xF7A  }
0x26: {  	[smem:$0x3F9F] =	sst s1;
	(tag) =	ssettag s2;
	_ =	strace s9  }
0x27: {  	s1 =	sld [smem:$0x3FAF]  }
0x28: {  	s2 =	sld [smem:$0x3FB0]  }
0x29: {  	s4 =	sld [smem:$0x3FB2]  }
0x2a: {  	p0 =	seq.s32 s5, $0x0;
	s5 =	sld [smem:$0x3FB3]  }
0x2b: {  	s6 =	sld [smem:$0x3FB4]  }
0x2c: {  	s7 =	sld [smem:$0x3FB5]  }
0x2d: {  	s3 =	simm.s32 $0x108;
	s8 =	sld [smem:$0x3FB6]  }
0x2e: {  	s3 =	simm.s32 @!p0 $0x1082;
	s9 =	sld [smem:$0x3FB7]  }
0x2f: {  	lr =	sadd.s32 s0, s3;
	s0 =	sld [smem:$0x3FAE]  }
0x30: {  	s3 =	sld [smem:$0x3FB1]  }
0x31: {  	[smem:$0x3FBA] =	sst s10  }
0x32: {  	s10 =	sld [smem:$0x3FB8];
	_ =	sdelay $0x3  }
0x33: {  	p0 =	seq.s32 s10, $0x1;
	s10 =	sld [smem:$0x3FBA];
	_ =	sdelay $0x3  }
0x34: {  	[smem:$0x3FBA] =	sst s10  }
0x35: {  	s10 =	sld [smem:$0x3FB9];
	_ =	sdelay $0x3  }
0x36: {  	p1 =	seq.s32 s10, $0x1;
	s10 =	sld [smem:$0x3FBA];
	_ =	sdelay $0x3  }
0x37: {  	[smem:$0x3FBA] =	sst s10  }
0x38: {  	s10 =	sld [smem:$0x3FBB]  }
0x39: {  	_ = 	snop;
	(pc) =	sbr.ind lr, $3  }
0x3a: {  	_ = 	snop  }
0x3b: {  	_ = 	snop  }
0x3c: {  	p2 =	seq.s32 s10, $0x1;
	s10 =	sld [smem:$0x3FBA]  }
0x3d: {  	_ =	shalt  }
0x3e: {  	_ =	shalt  }
0x3f: {  	_ =	shalt  }
0x40: {  	_ =	shalt  }
0x41: {  	_ =	shalt  }
0x42: {  	_ =	shalt  }
0x43: {  	_ =	shalt  }
0x44: {  	_ =	shalt  }
0x45: {  	_ =	shalt  }
0x46: {  	_ =	shalt  }
0x47: {  	_ =	shalt  }
0x48: {  	_ =	shalt  }
0x49: {  	_ =	shalt  }
0x4a: {  	_ =	shalt  }
0x4b: {  	_ =	shalt  }
0x4c: {  	_ =	shalt  }
0x4d: {  	_ =	shalt  }
0x4e: {  	_ =	shalt  }
0x4f: {  	_ =	shalt  }
0x50: {  	_ =	shalt  }
0x51: {  	_ =	shalt  }
0x52: {  	_ =	shalt  }
0x53: {  	_ =	shalt  }
0x54: {  	_ =	shalt  }
0x55: {  	_ =	shalt  }
0x56: {  	_ =	shalt  }
0x57: {  	_ =	shalt  }
0x58: {  	_ =	shalt  }
0x59: {  	_ =	shalt  }
0x5a: {  	_ =	shalt  }
0x5b: {  	_ =	shalt  }
0x5c: {  	_ =	shalt  }
0x5d: {  	_ =	shalt  }
0x5e: {  	_ =	shalt  }
0x5f: {  	_ =	shalt  }
0x60: {  	_ =	shalt  }
0x61: {  	_ =	shalt  }
0x62: {  	_ =	shalt  }
0x63: {  	_ =	shalt  }
0x64: {  	_ =	shalt  }
0x65: {  	_ =	shalt  }
0x66: {  	_ =	shalt  }
0x67: {  	_ =	shalt  }
0x68: {  	_ =	shalt  }
0x69: {  	_ =	shalt  }
0x6a: {  	_ =	shalt  }
0x6b: {  	_ =	shalt  }
0x6c: {  	_ =	shalt  }
0x6d: {  	_ =	shalt  }
0x6e: {  	_ =	shalt  }
0x6f: {  	_ =	shalt  }
0x70: {  	_ =	shalt  }
0x71: {  	_ =	shalt  }
0x72: {  	_ =	shalt  }
0x73: {  	_ =	shalt  }
0x74: {  	_ =	shalt  }
0x75: {  	_ =	shalt  }
0x76: {  	_ =	shalt  }
0x77: {  	_ =	shalt  }
0x78: {  	_ =	shalt  }
0x79: {  	_ =	shalt  }
0x7a: {  	_ =	shalt  }
0x7b: {  	_ =	shalt  }
0x7c: {  	_ =	shalt  }
0x7d: {  	_ =	shalt  }
0x7e: {  	_ =	shalt  }
0x7f: {  	_ =	shalt  }
0x80: {  	_ =	shalt  }
0x81: {  	_ =	shalt  }
0x82: {  	_ =	shalt  }
0x83: {  	_ =	shalt  }
0x84: {  	_ =	shalt  }
0x85: {  	_ =	shalt  }
0x86: {  	_ =	shalt  }
0x87: {  	_ =	shalt  }
.Lfunc_end0:
.L_simem_size_0:
called_computation_lowered:
.L_overlay_start_0:
0x88: {  	s2 =	sld [smem:$0x3FD9]  }
0x89: {  	s3 =	sld [smem:$0x3FFE];
	_ =	sdelay $0x1  }
0x8a: {  	s1 =	srdreg.scid  }
0x8b: {  	s0 =	sand.u32 $0x1, s1  }
0x8c: {  	s17 =	sshll.u32 s0, $0xA;
	s2 =	sadd.s32 s3, s2  }
0x8d: {  	s2 =	sadd.s32 s2, s17  }
0x8e: {  	[smem:$0x3FC6] =	sst s2  }
0x8f: {  	_ = 	snop  }
0x90: {  	s2 =	sld [smem:$0x3FC9]  }
0x91: {  	s18 =	sld [smem:$0x3FC8];
	(tm) =	ssettm $0x1  }
0x92: {  	s4 =	sld [smem:$0x3FFB];
	_ =	sdelay $0x3  }
0x93: {  	_ =	strace s4  }
0x94: {  	s4 =	sld [smem:$0x3FFC];
	_ =	sdelay $0x3  }
0x95: {  	_ =	strace s4  }
0x96: {  	s4 =	sld [smem:$0x3FFD];
	_ =	sdelay $0x3  }
0x97: {  	_ =	strace s4  }
0x98: {  	_ =	strace $0x8FFFFFFF  }
0x99: {  	s19 =	sld [smem:$0x3FDB];
	_ =	sdelay $0x1  }
0x9a: {  	s5 =	simm.s32 $_scs_section_size  }
0x9b: {  	s6 =	simm.s32 $_size__tile_overlayer_lowered;
	s7 =	simm.s32 $_tile_overlayer_lowered  }
0x9c: {  	s22 =	simm.s32 $0x1BFF;
	s21 =	sshll.u32 s7, $0x1;
	s4 =	sadd.s32 s5, s19  }
0x9d: {  	s8 =	simm.s32 $0x0;
	s20 =	sshll.u32 s6, $0x1;
	s6 =	sadd.s32 s21, s4  }
0x9e: {  	[timem:s8], [sflag:s22] =	dma.local [hbm:s6], s20  }
0x9f: {  	_ =	swait.ge [sflag:s22], s20  }
0xa0: {  	s5 =	ssub.s32 $0x0, s20;
	[sflag:s22] =	ssyncset.done $0x0  }
0xa1: {  	[sflag:s22] =	ssyncadd.s32 s5;
	_ =	sdelay $0x1  }
0xa2: {  	s23 =	simm.s32 $0x1B8B  }
0xa3: {  	_ =	swait.ge [sflag:s23], $0x1  }
0xa4: {  	[sflag:s23] =	ssyncset.done $0x0  }
0xa5: {  	s25 =	simm.s32 $0x1B8E;
	s24 =	sld [smem:$0x3FFE];
	[sflag:s23] =	ssyncadd.s32 $0xFFFFFFFF  }
0xa6: {  	s26 =	simm.s32 $execute0_lowered;
	[smem:$0x3FD2] =	sst s25  }
0xa7: {  	s6 =	sshll.u32 s26, $0x1;
	_ =	strace $0x80000046;
	[dreg:$0x1] =	wrdreg $0xFFFFFFFF  }
0xa8: {  	s28 =	simm.s32 $_size_execute0_lowered;
	s4 =	sadd.s32 s4, s6;
	[dreg:$0x0] =	wrdreg $0x0  }
0xa9: {  	s6 =	sshll.u32 s28, $0x1;
	[dreg:$0x2] =	wrdreg s4  }
0xaa: {  	[dreg:$0x3] =	wrdreg s6  }
0xab: {  	[dreg:$0x4] =	wrdreg $0xC0  }
0xac: {  	_ =	task [dreg:s8], $0x5FFFF  }
0xad: {  	[dreg:$0x1] =	wrdreg $0xFFFFFFFF  }
0xae: {  	[dreg:$0x0] =	wrdreg $0x60  }
0xaf: {  	[dreg:$0x2] =	wrdreg s2  }
0xb0: {  	[dreg:$0x3] =	wrdreg s18  }
0xb1: {  	[dreg:$0x4] =	wrdreg s24  }
0xb2: {  	[dreg:$0x5] =	wrdreg $0x142800  }
0xb3: {  	[dreg:$0x6] =	wrdreg $0x9  }
0xb4: {  	_ =	task.clear_ibuf [dreg:s8], $0x7FFFF;
	_ =	strace $0x90000046  }
0xb5: {  	s29 =	simm.s32 $0x9;
	_ =	strace $0x80000048  }
0xb6: {  	_ =	swait.ge [sflag:s29], $0x1  }
0xb7: {  	[sflag:s29] =	ssyncadd.s32 $0xFFFFFFFF  }
0xb8: {  	_ =	strace $0x90000048  }
0xb9: {  	_ =	sfence  }
0xba: {  	s30 =	sld [smem:$0x0];
	_ =	sdelay $0x2  }
0xbb: {  	s31 =	sshll.u32 s1, $0xD;
	s1 =	sshrl.u32 s1, $0x2  }
0xbc: {  	s3 =	sand.u32 $0x4000, s31;
	s1 =	sadd.s32 s1, s30  }
0xbd: {  	s0 =	sor.u32 s3, s0;
	s1 =	sshll.u32 s1, $0x11  }
0xbe: {  	s0 =	sor.u32 s1, s0  }
0xbf: {  	s0 =	sadd.s32 $0x8F2B, s0  }
0xc0: {  	[sflag:s0] =	ssyncadd.remote.s32 $0x1  }
0xc1: {  	_ =	sfence.sel $0xFFFF  }
0xc2: {  	[dreg:$0x0] =	wrdreg $0xFFFFFFFF;
	(pc) =	sbr.abs _section_cstart, $3  }
0xc3: {  	[dreg:$0x1] =	wrdreg $0xFFFFFFFF  }
0xc4: {  	_ =	task.clear_ibuf [dreg:s8], $0x2FFFF;
	_ =	strace $0x9FFFFFFF  }
0xc5: {  	(tm) =	ssettm $0x7FFFFFFF  }
tec
execute0_lowered:
.L_overlay_start_1:
0x0: {  	(tag) =	ssettag $0x1  }
0x1: {  	s1 =	rddreg [dreg:$0x0]  }
0x2: {  	s0 =	rddreg [dreg:$0x1]  }
0x3: {  	s4 =	rddreg [dreg:$0x2]  }
0x4: {  	s2 =	rddreg [dreg:$0x3];
	s3 =	simm.s32 $0x0;
	s5 =	srdreg.scid  }
0x5: {  	s18 =	stileid.u32;
	s28 =	simm.s32 $0x80;
	s29 =	simm.s32 $0x7  }
0x6: {  	s30 =	simm.s32 $0x2;
	s31 =	simm.s32 $0x3;
	[smem:$0x7FF] =	sst s3  }
0x7: {  	s7 =	sand.u32 $0x1, s5;
	s6 =	sshll.u32 s18, $0xB;
	s9 =	sshll.u32 s18, $0x1  }
0x8: {  	p0 =	slt.u32 s18, $0x2;
	s20 =	sshll.u32 s18, $0xE;
	s23 =	sshll.u32 s18, $0xC  }
0x9: {  	s18 =	sshll.u32 s18, $0x5;
	_ =	strace $0x80000047;
	s5 =	ssub.s32 $0x2, s7  }
0xa: {  	s4 =	sadd.s32 s6, s4;
	s6 =	simm.s32 $0x4F;
	s21 =	sshll.u32 s7, $0xF  }
0xb: {  	s24 =	sshll.u32 s7, $0xB;
	s8 =	sshrl.u32 s5, $0x1;
	s6 =	simm.s32 @!p0 $0x4E  }
0xc: {  	s4 =	sadd.s32 s21, s4;
	s21 =	simm.s32 $0x14080;
	s8 =	ssub.s32 s5, s8  }
0xd: {  	s5 =	sor.u32 s7, s9;
	s4 =	sadd.s32 $0x600, s4;
	s7 =	sshll.u32 s7, $0x4  }
0xe: {  	s9 =	sshll.u32 s5, $0xB;
	s25 =	sshll.u32 s5, $0x7;
	s17 =	sshll.u32 s5, $0x4  }
0xf: {  	s26 =	sor.u32 $0x20, s5;
	s12 =	sor.u32 $0x40, s5;
	[dreg:$0xd] =	wrdreg s4  }
0x10: {  	s22 =	smax.u32 s8, $0x1;
	s4 =	sor.u32 s24, s23;
	s7 =	sor.u32 s7, s18  }
0x11: {  	s23 =	simm.s32 $0x14100;
	s9 =	sadd.s32 s1, s9;
	s10 =	sand.u32 $0x380, s25  }
0x12: {  	s11 =	sadd.s32 s0, s17;
	s13 =	sshll.u32 s26, $0x7;
	[dreg:$0xe] =	wrdreg s22  }
0x13: {  	s4 =	sadd.s32 s4, s1;
	s22 =	simm.s32 $0x8000;
	[dreg:$0x7] =	wrdreg s9  }
0x14: {  	[dreg:$0x8] =	wrdreg s11;
	s9 =	sshll.u32 s26, $0xB;
	s11 =	sand.u32 $0x1C00, s13  }
0x15: {  	s13 =	sshll.u32 s12, $0x7;
	s12 =	sshll.u32 s12, $0xB;
	s26 =	sand.u32 $0x70, s7  }
0x16: {  	s7 =	sadd.s32 $0x30000, s4;
	s9 =	sadd.s32 s1, s9;
	s11 =	sor.u32 s10, s11  }
0x17: {  	s13 =	sand.u32 $0x2C00, s13;
	s15 =	sadd.s32 s1, s12;
	[dreg:$0x9] =	wrdreg s9  }
0x18: {  	s11 =	sshrl.u32 s11, $0x3;
	s13 =	sor.u32 s10, s13;
	[dreg:$0xb] =	wrdreg s15  }
0x19: {  	s15 =	sadd.s32 $0xFFFFFFFC, s6;
	s14 =	sadd.s32 s0, s11;
	s16 =	sshrl.u32 s13, $0x3  }
0x1a: {  	s13 =	sadd.s32 s20, s2;
	[dreg:$0x6] =	wrdreg s15;
	s20 =	simm.s32 $0x4000  }
0x1b: {  	[dreg:$0xa] =	wrdreg s14;
	s19 =	sadd.s32 s0, s16;
	s14 =	sadd.s32 $0xFFFFFFFD, s6  }
0x1c: {  	s16 =	sand.u32 $0x70, s17;
	s17 =	sor.u32 $0x600, s17;
	[dreg:$0xc] =	wrdreg s19  }
0x1d: {  	[dreg:$0x5] =	wrdreg s14;
	s14 =	sadd.s32 s0, s16;
	s25 =	sand.u32 $0x780, s17  }
0x1e: {  	s19 =	simm.s32 $0x14000;
	s0 =	sadd.s32 s25, s0;
	s25 =	simm.s32 $0x6  }
0x1f: {  	v0 =	vimm.f32 $0.0e+00;
	s18 =	sadd.s32 s26, s0;
	s26 =	simm.s32 $0x1;
	s0 =	simm.s32 $0x0  }
.LBB2_1:
0x20: {  	s4 =	rddreg [dreg:$0x7]  }
0x21: {  	[tilespmem:s3], [sflag:$0x1] =	stream.linear.gather [hbm4b:s4+s3], $0x4000, $0x38;
	[tilespmem:$0x18280] =	vst v63  }
0x22: {  	s12 =	rddreg [dreg:$0x8]  }
0x23: {  	[tilespmem:s19], [sflag:$0x1] =	stream.linear.gather [hbm4b:s12+s3], $0x80, $0x38;
	[tilespmem:$0x18280] =	vst v63  }
0x24: {  	s15 =	rddreg [dreg:$0x9]  }
0x25: {  	[tilespmem:s20], [sflag:$0x2] =	stream.linear.gather [hbm4b:s15+s3], $0x4000, $0x38;
	[tilespmem:$0x18280] =	vst v63  }
0x26: {  	s16 =	rddreg [dreg:$0xa]  }
0x27: {  	[tilespmem:s21], [sflag:$0x2] =	stream.linear.gather [hbm4b:s16+s3], $0x80, $0x38;
	[tilespmem:$0x18280] =	vst v63  }
0x28: {  	s17 =	rddreg [dreg:$0xb]  }
0x29: {  	[tilespmem:s22], [sflag:$0x3] =	stream.linear.gather [hbm4b:s17+s3], $0x4000, $0x38;
	[tilespmem:$0x18280] =	vst v63  }
0x2a: {  	s24 =	rddreg [dreg:$0xc];
	s8 =	simm.s32 $0x200;
	s4 =	simm.s32 $0x0  }
0x2b: {  	[tilespmem:s23], [sflag:$0x3] =	stream.linear.gather [hbm4b:s24+s3], $0x80, $0x38;
	[tilespmem:$0x18280] =	vst v63  }
.LBB2_2:
0x2c: {  	p0 =	sne.s32 s8, $0xFE00;
	[tilespmem:s4+$0x10070] =	vst v0  }
0x2d: {  	[tilespmem:s4+$0x10000] =	vst v0  }
0x2e: {  	[tilespmem:s4+$0x10010] =	vst v0  }
.Ltmp0:
0x2f: {  	[tilespmem:s4+$0x10020] =	vst v0;
	(pc) =	sbr.rel @p0 .LBB2_2-.Ltmp0, $4  }
0x30: {  	[tilespmem:s4+$0x10030] =	vst v0  }
0x31: {  	[tilespmem:s4+$0x10040] =	vst v0  }
0x32: {  	[tilespmem:s4+$0x10050] =	vst v0  }
0x33: {  	[tilespmem:s4+$0x10060] =	vst v0;
	s4 =	sshra.s32 s8, $0x2;
	s8 =	sadd.s32 $0x200, s8  }
0x34: {  	[tilespmem:s4+$0x10070] =	vst v0  }
0x35: {  	[tilespmem:s4+$0x10000] =	vst v0  }
0x36: {  	[tilespmem:s4+$0x10010] =	vst v0  }
0x37: {  	[tilespmem:s4+$0x10020] =	vst v0  }
0x38: {  	[tilespmem:s4+$0x10030] =	vst v0  }
0x39: {  	[tilespmem:s4+$0x10040] =	vst v0  }
0x3a: {  	[tilespmem:s4+$0x10050] =	vst v0  }
0x3b: {  	[tilespmem:s4+$0x10060] =	vst v0;
	s15 =	simm.s32 $0x10000  }
0x3c: {  	[spmem:s13] =	stream.linear.scatter [tilespmem:s15], [sflag:$0x6], $0x4000, $0x38;
	[tilespmem:$0x18280] =	vst v63  }
0x3d: {  	_ =	swait.ge [sflag:s25], $0x4000  }
0x3e: {  	[sflag:s25] =	ssyncset.done $0x0  }
0x3f: {  	[sflag:s25] =	ssyncadd.s32 $0xFFFFC000  }
0x40: {  	[bflag:$0x0] =	sbarrier.arrive $0xFFFF  }
0x41: {  	_ =	swait.ge [sflag:s26], $0x4000  }
0x42: {  	[sflag:s26] =	ssyncset.done $0x0  }
0x43: {  	[sflag:s26] =	ssyncadd.s32 $0xFFFFC000  }
0x44: {  	_ =	swait.ge [sflag:s26], $0x80  }
0x45: {  	p0 =	sle.u32 s6, $0x3;
	[sflag:s26] =	ssyncset.done $0x0  }
0x46: {  	s4 =	simm.s32 @!p0 $0x0;
	s8 =	simm.s32 @!p0 $0xC000;
	[sflag:s26] =	ssyncadd.s32 $0xFFFFFF80  }
0x47: {  	[tilespmem:s8], [sflag:$0x4] =	stream.linear.gather @!p0 [hbm4b:s7+s4], $0x4000, $0x38;
	[tilespmem:$0x18280] =	vst v63  }
0x48: {  	s8 =	simm.s32 @!p0 $0x14180  }
0x49: {  	[tilespmem:s8], [sflag:$0x4] =	stream.linear.gather @!p0 [hbm4b:s18+s4], $0x80, $0x38;
	[tilespmem:$0x18280] =	vst v63  }
0x4a: {  	_ = 	snop  }
0x4b: {  	[spmem:s2] =	stream.indirect.scatter.add.f32 [tilespmem:s3], [sflag:$0x7], $0x80, s19, s28, $0xb8;
	[tilespmem:$0x18280] =	vst v63  }
0x4c: {  	_ =	swait.ge [sflag:s29], $0x4000  }
0x4d: {  	[sflag:s29] =	ssyncset.done $0x0  }
0x4e: {  	[sflag:s29] =	ssyncadd.s32 $0xFFFFC000  }
0x4f: {  	s4 =	simm.s32 $0x4;
	p0 =	sle.u32 s6, $0x4;
	_ =	swait.ge [sflag:s30], $0x4000  }
0x50: {  	s4 =	smin.u32 @!p0 s4, $0x4E;
	[sflag:s30] =	ssyncset.done $0x0  }
0x51: {  	s8 =	simm.s32 @!p0 $0x0;
	s4 =	sshll.u32 @!p0 s4, $0x5;
	[sflag:s30] =	ssyncadd.s32 $0xFFFFC000  }
0x52: {  	s17 =	simm.s32 @!p0 $0x10000;
	s4 =	sor.u32 @!p0 s5, s4;
	_ =	swait.ge [sflag:s30], $0x80  }
0x53: {  	s24 =	sshll.u32 @!p0 s4, $0xB;
	s4 =	sshll.u32 @!p0 s4, $0x4;
	[sflag:s30] =	ssyncset.done $0x0  }
0x54: {  	s24 =	sadd.s32 @!p0 s1, s24;
	s4 =	sand.u32 @!p0 $0xFF80, s4;
	[sflag:s30] =	ssyncadd.s32 $0xFFFFFF80  }
0x55: {  	[tilespmem:s17], [sflag:$0x5] =	stream.linear.gather @!p0 [hbm4b:s24+s8], $0x4000, $0x38;
	[tilespmem:$0x18280] =	vst v63  }
0x56: {  	s4 =	sadd.s32 @!p0 s4, s14;
	s17 =	simm.s32 @!p0 $0x14200  }
0x57: {  	[tilespmem:s17], [sflag:$0x5] =	stream.linear.gather @!p0 [hbm4b:s4+s8], $0x80, $0x38;
	[tilespmem:$0x18280] =	vst v63  }
0x58: {  	_ = 	snop  }
0x59: {  	[spmem:s2] =	stream.indirect.scatter.add.f32 [tilespmem:s20], [sflag:$0x7], $0x80, s21, s28, $0xb8;
	[tilespmem:$0x18280] =	vst v63  }
0x5a: {  	_ =	swait.ge [sflag:s29], $0x4000  }
0x5b: {  	[sflag:s29] =	ssyncset.done $0x0  }
0x5c: {  	[sflag:s29] =	ssyncadd.s32 $0xFFFFC000  }
0x5d: {  	s4 =	simm.s32 $0x5;
	p0 =	sle.u32 s6, $0x5;
	_ =	swait.ge [sflag:s31], $0x4000  }
0x5e: {  	s4 =	smin.u32 @!p0 s4, $0x4E;
	[sflag:s31] =	ssyncset.done $0x0  }
0x5f: {  	s4 =	sshll.u32 @!p0 s4, $0x5;
	[sflag:s31] =	ssyncadd.s32 $0xFFFFC000  }
0x60: {  	s8 =	simm.s32 @!p0 $0x0;
	s4 =	sor.u32 @!p0 s5, s4;
	_ =	swait.ge [sflag:s31], $0x80  }
0x61: {  	s17 =	sshll.u32 @!p0 s4, $0xB;
	s4 =	sshll.u32 @!p0 s4, $0x4;
	[sflag:s31] =	ssyncset.done $0x0  }
0x62: {  	s17 =	sadd.s32 @!p0 s1, s17;
	s4 =	sand.u32 @!p0 $0xFF80, s4;
	[sflag:s31] =	ssyncadd.s32 $0xFFFFFF80  }
0x63: {  	[tilespmem:s8], [sflag:$0x1] =	stream.linear.gather @!p0 [hbm4b:s17+s8], $0x4000, $0x38;
	[tilespmem:$0x18280] =	vst v63  }
0x64: {  	s4 =	sadd.s32 @!p0 s4, s14;
	s17 =	simm.s32 @!p0 $0x14000  }
0x65: {  	[tilespmem:s17], [sflag:$0x1] =	stream.linear.gather @!p0 [hbm4b:s4+s8], $0x80, $0x38;
	[tilespmem:$0x18280] =	vst v63  }
0x66: {  	_ = 	snop  }
0x67: {  	[spmem:s2] =	stream.indirect.scatter.add.f32 [tilespmem:s22], [sflag:$0x7], $0x80, s23, s28, $0xb8;
	[tilespmem:$0x18280] =	vst v63  }
0x68: {  	_ =	swait.ge [sflag:s29], $0x4000  }
0x69: {  	s16 =	rddreg [dreg:$0x5]  }
0x6a: {  	p0 =	sle.u32 s16, $0x0  }
0x6b: {  	p2 =	sle.u32 @!p0 s6, $0x6  }
0x6c: {  	p1 =	por p2, p0  }
0x6d: {  	[sflag:s29] =	ssyncset.done $0x0;
	p3 =	por @!p1 $0x1, $0x1  }
0x6e: {  	[sflag:s29] =	ssyncadd.s32 $0xFFFFC000;
	s4 =	simm.s32 @!p0 $0x4;
	p2 =	por @!p0 !p3, p2  }
0x6f: {  	s8 =	simm.s32 @!p0 $0x6;
	_ =	swait.ge @!p0 [sflag:s4], $0x4000;
	p2 =	por !p2, p0  }
0x70: {  	[sflag:s4] =	ssyncset.done @!p0 $0x0;
	s8 =	simm.s32 @!p2 $0x4E  }
0x71: {  	[sflag:s4] =	ssyncadd.s32 @!p0 $0xFFFFC000;
	s8 =	sshll.u32 @!p1 s8, $0x5  }
0x72: {  	_ =	swait.ge @!p0 [sflag:s4], $0x80;
	s8 =	sor.u32 @!p1 s5, s8  }
0x73: {  	s17 =	simm.s32 @!p1 $0x0;
	[sflag:s4] =	ssyncset.done @!p0 $0x0;
	s24 =	sshll.u32 @!p1 s8, $0xB  }
0x74: {  	[sflag:s4] =	ssyncadd.s32 @!p0 $0xFFFFFF80;
	s8 =	sshll.u32 @!p1 s8, $0x4;
	s24 =	sand.u32 @!p1 $0x1FFFF800, s24  }
0x75: {  	s4 =	simm.s32 @!p1 $0x4000;
	s8 =	sand.u32 @!p1 $0xFFFFF80, s8;
	s24 =	sadd.s32 @!p1 s1, s24  }
0x76: {  	[tilespmem:s4], [sflag:$0x2] =	stream.linear.gather @!p1 [hbm4b:s24+s17], $0x4000, $0x38;
	[tilespmem:$0x18280] =	vst v63  }
0x77: {  	s4 =	sadd.s32 @!p1 s8, s14;
	s8 =	simm.s32 @!p1 $0x14080;
	s24 =	simm.s32 @!p0 $0x7  }
0x78: {  	[tilespmem:s8], [sflag:$0x2] =	stream.linear.gather @!p1 [hbm4b:s4+s17], $0x80, $0x38;
	[tilespmem:$0x18280] =	vst v63  }
0x79: {  	s4 =	simm.s32 @!p0 $0x80;
	s8 =	simm.s32 @!p0 $0x14180;
	s17 =	simm.s32 @!p0 $0xC000  }
0x7a: {  	[spmem:s2] =	stream.indirect.scatter.add.f32 @!p0 [tilespmem:s17], [sflag:$0x7], $0x80, s8, s4, $0xb8;
	[tilespmem:$0x18280] =	vst v63  }
0x7b: {  	_ =	swait.ge @!p0 [sflag:s24], $0x4000  }
0x7c: {  	s17 =	rddreg [dreg:$0x6]  }
0x7d: {  	p1 =	sle.u32 s17, $0x0  }
0x7e: {  	p3 =	sle.u32 @!p1 s6, $0x7  }
0x7f: {  	p2 =	por p3, p1  }
0x80: {  	[sflag:s24] =	ssyncset.done @!p0 $0x0;
	p4 =	por @!p2 $0x1, $0x1  }
0x81: {  	[sflag:s24] =	ssyncadd.s32 @!p0 $0xFFFFC000;
	s4 =	simm.s32 @!p1 $0x5;
	p0 =	por @!p1 !p4, p3  }
0x82: {  	s8 =	simm.s32 $0x7;
	_ =	swait.ge @!p1 [sflag:s4], $0x4000;
	p0 =	por !p0, p1  }
0x83: {  	[sflag:s4] =	ssyncset.done @!p1 $0x0;
	s8 =	simm.s32 @!p0 $0x4E  }
0x84: {  	[sflag:s4] =	ssyncadd.s32 @!p1 $0xFFFFC000;
	s8 =	sshll.u32 @!p2 s8, $0x5  }
0x85: {  	_ =	swait.ge @!p1 [sflag:s4], $0x80;
	s8 =	sor.u32 @!p2 s5, s8  }
0x86: {  	s17 =	simm.s32 @!p2 $0x0;
	[sflag:s4] =	ssyncset.done @!p1 $0x0;
	s24 =	sshll.u32 @!p2 s8, $0xB  }
0x87: {  	[sflag:s4] =	ssyncadd.s32 @!p1 $0xFFFFFF80;
	s8 =	sshll.u32 @!p2 s8, $0x4;
	s24 =	sand.u32 @!p2 $0x1FFFF800, s24  }
0x88: {  	s4 =	simm.s32 @!p2 $0x8000;
	s8 =	sand.u32 @!p2 $0xFFFFF80, s8;
	s24 =	sadd.s32 @!p2 s1, s24  }
0x89: {  	[tilespmem:s4], [sflag:$0x3] =	stream.linear.gather @!p2 [hbm4b:s24+s17], $0x4000, $0x38;
	[tilespmem:$0x18280] =	vst v63  }
0x8a: {  	s4 =	sadd.s32 @!p2 s8, s14;
	s24 =	simm.s32 @!p2 $0x14100;
	s8 =	simm.s32 @!p1 $0x6  }
0x8b: {  	[tilespmem:s24], [sflag:$0x3] =	stream.linear.gather @!p2 [hbm4b:s4+s17], $0x80, $0x38;
	[tilespmem:$0x18280] =	vst v63  }
0x8c: {  	s4 =	simm.s32 @!p1 $0x80;
	s17 =	simm.s32 @!p1 $0x14200;
	s24 =	simm.s32 @!p1 $0x10000  }
0x8d: {  	[spmem:s2] =	stream.indirect.scatter.add.f32 @!p1 [tilespmem:s24], [sflag:$0x6], $0x80, s17, s4, $0xb8;
	[tilespmem:$0x18280] =	vst v63  }
0x8e: {  	s4 =	simm.s32 $0xC;
	_ =	swait.ge @!p1 [sflag:s8], $0x4000  }
0x8f: {  	s24 =	sadd.s32 $0xA00, s18;
	s17 =	smov.u32 s7;
	[sflag:s8] =	ssyncset.done @!p1 $0x0  }
.LBB2_4:
0x90: {  	[sflag:s8] =	ssyncadd.s32 @!p1 $0xFFFFC000  }
0x91: {  	_ =	swait.ge [sflag:s26], $0x4000  }
0x92: {  	[sflag:s26] =	ssyncset.done $0x0  }
0x93: {  	s8 =	smov.u32 s4;
	[sflag:s26] =	ssyncadd.s32 $0xFFFFC000  }
0x94: {  	s9 =	sadd.s32 $0xFFFFFFFC, s8;
	_ =	swait.ge [sflag:s26], $0x80  }
0x95: {  	s17 =	sadd.s32 $0x50000, s17;
	p1 =	sge.u32 s9, s6;
	[sflag:s26] =	ssyncset.done $0x0  }
0x96: {  	s9 =	simm.s32 @!p1 $0x0;
	s10 =	simm.s32 @!p1 $0xC000;
	[sflag:s26] =	ssyncadd.s32 $0xFFFFFF80  }
0x97: {  	[tilespmem:s10], [sflag:$0x4] =	stream.linear.gather @!p1 [hbm4b:s17+s9], $0x4000, $0x38;
	[tilespmem:$0x18280] =	vst v63  }
0x98: {  	s10 =	simm.s32 @!p1 $0x14180  }
0x99: {  	[tilespmem:s10], [sflag:$0x4] =	stream.linear.gather @!p1 [hbm4b:s24+s9], $0x80, $0x38;
	[tilespmem:$0x18280] =	vst v63  }
0x9a: {  	_ = 	snop  }
0x9b: {  	[spmem:s2] =	stream.indirect.scatter.add.f32 [tilespmem:s3], [sflag:$0x7], $0x80, s19, s28, $0xb8;
	[tilespmem:$0x18280] =	vst v63  }
0x9c: {  	_ =	swait.ge [sflag:s29], $0x4000  }
0x9d: {  	[sflag:s29] =	ssyncset.done $0x0  }
0x9e: {  	s9 =	sadd.s32 $0xFFFFFFFD, s8;
	[sflag:s29] =	ssyncadd.s32 $0xFFFFC000  }
0x9f: {  	p1 =	sge.u32 s9, s6;
	_ =	swait.ge [sflag:s30], $0x4000  }
0xa0: {  	s9 =	smin.u32 @!p1 s9, $0x4E;
	[sflag:s30] =	ssyncset.done $0x0  }
0xa1: {  	s10 =	simm.s32 @!p1 $0x0;
	s9 =	sshll.u32 @!p1 s9, $0x5;
	[sflag:s30] =	ssyncadd.s32 $0xFFFFC000  }
0xa2: {  	s11 =	simm.s32 @!p1 $0x10000;
	s9 =	sor.u32 @!p1 s5, s9;
	_ =	swait.ge [sflag:s30], $0x80  }
0xa3: {  	s12 =	sshll.u32 @!p1 s9, $0xB;
	s9 =	sshll.u32 @!p1 s9, $0x4;
	[sflag:s30] =	ssyncset.done $0x0  }
0xa4: {  	s12 =	sadd.s32 @!p1 s1, s12;
	s9 =	sand.u32 @!p1 $0xFF80, s9;
	[sflag:s30] =	ssyncadd.s32 $0xFFFFFF80  }
0xa5: {  	[tilespmem:s11], [sflag:$0x5] =	stream.linear.gather @!p1 [hbm4b:s12+s10], $0x4000, $0x38;
	[tilespmem:$0x18280] =	vst v63  }
0xa6: {  	s9 =	sadd.s32 @!p1 s9, s14;
	s11 =	simm.s32 @!p1 $0x14200  }
0xa7: {  	[tilespmem:s11], [sflag:$0x5] =	stream.linear.gather @!p1 [hbm4b:s9+s10], $0x80, $0x38;
	[tilespmem:$0x18280] =	vst v63  }
0xa8: {  	_ = 	snop  }
0xa9: {  	[spmem:s2] =	stream.indirect.scatter.add.f32 [tilespmem:s20], [sflag:$0x7], $0x80, s21, s28, $0xb8;
	[tilespmem:$0x18280] =	vst v63  }
0xaa: {  	_ =	swait.ge [sflag:s29], $0x4000  }
0xab: {  	[sflag:s29] =	ssyncset.done $0x0  }
0xac: {  	s9 =	sadd.s32 $0xFFFFFFFE, s8;
	[sflag:s29] =	ssyncadd.s32 $0xFFFFC000  }
0xad: {  	p1 =	sge.u32 s9, s6;
	_ =	swait.ge [sflag:s31], $0x4000  }
0xae: {  	s9 =	smin.u32 @!p1 s9, $0x4E;
	[sflag:s31] =	ssyncset.done $0x0  }
0xaf: {  	s9 =	sshll.u32 @!p1 s9, $0x5;
	[sflag:s31] =	ssyncadd.s32 $0xFFFFC000  }
0xb0: {  	s10 =	simm.s32 @!p1 $0x0;
	s9 =	sor.u32 @!p1 s5, s9;
	_ =	swait.ge [sflag:s31], $0x80  }
0xb1: {  	s11 =	sshll.u32 @!p1 s9, $0xB;
	s9 =	sshll.u32 @!p1 s9, $0x4;
	[sflag:s31] =	ssyncset.done $0x0  }
0xb2: {  	s11 =	sadd.s32 @!p1 s1, s11;
	s9 =	sand.u32 @!p1 $0xFF80, s9;
	[sflag:s31] =	ssyncadd.s32 $0xFFFFFF80  }
0xb3: {  	[tilespmem:s10], [sflag:$0x1] =	stream.linear.gather @!p1 [hbm4b:s11+s10], $0x4000, $0x38;
	[tilespmem:$0x18280] =	vst v63  }
0xb4: {  	s9 =	sadd.s32 @!p1 s9, s14;
	s11 =	simm.s32 @!p1 $0x14000  }
0xb5: {  	[tilespmem:s11], [sflag:$0x1] =	stream.linear.gather @!p1 [hbm4b:s9+s10], $0x80, $0x38;
	[tilespmem:$0x18280] =	vst v63  }
0xb6: {  	_ = 	snop  }
0xb7: {  	[spmem:s2] =	stream.indirect.scatter.add.f32 [tilespmem:s22], [sflag:$0x7], $0x80, s23, s28, $0xb8;
	[tilespmem:$0x18280] =	vst v63  }
0xb8: {  	_ =	swait.ge [sflag:s29], $0x4000  }
0xb9: {  	s10 =	sadd.s32 $0xFFFFFFF9, s8;
	s15 =	rddreg [dreg:$0x5]  }
0xba: {  	p1 =	sge.u32 s10, s15  }
0xbb: {  	s11 =	sadd.s32 @!p1 $0xFFFFFFFF, s8  }
0xbc: {  	p3 =	sge.u32 @!p1 s11, s6  }
0xbd: {  	p2 =	por p3, p1  }
0xbe: {  	p4 =	slt.s32 @!p2 s11, $0x4E  }
0xbf: {  	[sflag:s29] =	ssyncset.done $0x0;
	p3 =	por @!p1 !p4, p3  }
0xc0: {  	[sflag:s29] =	ssyncadd.s32 $0xFFFFC000;
	s9 =	simm.s32 @!p1 $0x4;
	p3 =	por !p3, p1  }
0xc1: {  	_ =	swait.ge @!p1 [sflag:s9], $0x4000;
	s11 =	simm.s32 @!p3 $0x4E  }
0xc2: {  	[sflag:s9] =	ssyncset.done @!p1 $0x0;
	s11 =	sshll.u32 @!p2 s11, $0x5  }
0xc3: {  	[sflag:s9] =	ssyncadd.s32 @!p1 $0xFFFFC000;
	s12 =	simm.s32 @!p2 $0x0;
	s11 =	sor.u32 @!p2 s5, s11  }
0xc4: {  	s15 =	simm.s32 @!p2 $0x4000;
	_ =	swait.ge @!p1 [sflag:s9], $0x80;
	s16 =	sshll.u32 @!p2 s11, $0xB  }
0xc5: {  	[sflag:s9] =	ssyncset.done @!p1 $0x0;
	s11 =	sshll.u32 @!p2 s11, $0x4;
	s16 =	sand.u32 @!p2 $0x1FFFF800, s16  }
0xc6: {  	[sflag:s9] =	ssyncadd.s32 @!p1 $0xFFFFFF80;
	s11 =	sand.u32 @!p2 $0xFFFFF80, s11;
	s9 =	sadd.s32 @!p2 s1, s16  }
0xc7: {  	[tilespmem:s15], [sflag:$0x2] =	stream.linear.gather @!p2 [hbm4b:s9+s12], $0x4000, $0x38;
	[tilespmem:$0x18280] =	vst v63  }
0xc8: {  	s11 =	sadd.s32 @!p2 s11, s14;
	s9 =	simm.s32 @!p2 $0x14080;
	s15 =	simm.s32 @!p1 $0x7  }
0xc9: {  	[tilespmem:s9], [sflag:$0x2] =	stream.linear.gather @!p2 [hbm4b:s11+s12], $0x80, $0x38;
	[tilespmem:$0x18280] =	vst v63  }
0xca: {  	s9 =	simm.s32 @!p1 $0x80;
	s11 =	simm.s32 @!p1 $0x14180;
	s12 =	simm.s32 @!p1 $0xC000  }
0xcb: {  	[spmem:s2] =	stream.indirect.scatter.add.f32 @!p1 [tilespmem:s12], [sflag:$0x7], $0x80, s11, s9, $0xb8;
	[tilespmem:$0x18280] =	vst v63  }
0xcc: {  	_ =	swait.ge @!p1 [sflag:s15], $0x4000  }
0xcd: {  	[sflag:s15] =	ssyncset.done @!p1 $0x0;
	s16 =	rddreg [dreg:$0x6]  }
0xce: {  	[sflag:s15] =	ssyncadd.s32 @!p1 $0xFFFFC000;
	p1 =	sge.u32 s10, s16  }
0xcf: {  	p3 =	sge.u32 @!p1 s8, s6  }
0xd0: {  	p2 =	por p3, p1  }
0xd1: {  	p4 =	slt.s32 @!p2 s8, $0x4E  }
0xd2: {  	p3 =	por @!p1 !p4, p3  }
0xd3: {  	s9 =	simm.s32 @!p1 $0x5;
	p3 =	por !p3, p1  }
0xd4: {  	_ =	swait.ge @!p1 [sflag:s9], $0x4000;
	s8 =	simm.s32 @!p3 $0x4E  }
0xd5: {  	s4 =	sadd.s32 $0x5, s4;
	[sflag:s9] =	ssyncset.done @!p1 $0x0;
	s8 =	sshll.u32 @!p2 s8, $0x5  }
0xd6: {  	s10 =	simm.s32 @!p2 $0x0;
	[sflag:s9] =	ssyncadd.s32 @!p1 $0xFFFFC000;
	s8 =	sor.u32 @!p2 s5, s8  }
0xd7: {  	s11 =	simm.s32 @!p2 $0x8000;
	_ =	swait.ge @!p1 [sflag:s9], $0x80;
	s12 =	sshll.u32 @!p2 s8, $0xB  }
0xd8: {  	[sflag:s9] =	ssyncset.done @!p1 $0x0;
	s8 =	sshll.u32 @!p2 s8, $0x4;
	s12 =	sand.u32 @!p2 $0x1FFFF800, s12  }
0xd9: {  	[sflag:s9] =	ssyncadd.s32 @!p1 $0xFFFFFF80;
	s8 =	sand.u32 @!p2 $0xFFFFF80, s8;
	s9 =	sadd.s32 @!p2 s1, s12  }
0xda: {  	[tilespmem:s11], [sflag:$0x3] =	stream.linear.gather @!p2 [hbm4b:s9+s10], $0x4000, $0x38;
	[tilespmem:$0x18280] =	vst v63  }
0xdb: {  	p0 =	sne.s32 s4, $0x57;
	s12 =	sadd.s32 @!p2 s8, s14;
	s9 =	simm.s32 @!p2 $0x14100  }
0xdc: {  	[tilespmem:s9], [sflag:$0x3] =	stream.linear.gather @!p2 [hbm4b:s12+s10], $0x80, $0x38;
	[tilespmem:$0x18280] =	vst v63  }
.Ltmp1:
0xdd: {  	s8 =	simm.s32 @!p1 $0x6;
	(pc) =	sbr.rel @p0 .LBB2_4-.Ltmp1, $4  }
0xde: {  	s11 =	simm.s32 @!p1 $0x10000;
	s9 =	simm.s32 @!p1 $0x80;
	s10 =	simm.s32 @!p1 $0x14200  }
0xdf: {  	[spmem:s2] =	stream.indirect.scatter.add.f32 @!p1 [tilespmem:s11], [sflag:$0x6], $0x80, s10, s9, $0xb8;
	[tilespmem:$0x18280] =	vst v63  }
0xe0: {  	_ =	swait.ge @!p1 [sflag:s8], $0x4000  }
0xe1: {  	s24 =	sadd.s32 $0xA00, s24;
	[sflag:s8] =	ssyncset.done @!p1 $0x0  }
0xe2: {  	[sflag:s8] =	ssyncadd.s32 @!p1 $0xFFFFC000  }
0xe3: {  	[bflag:$0x0] =	sbarrier.arrive $0xFFFF  }
0xe4: {  	[tilespmem:s3], [sflag:$0x6] =	stream.linear.gather [spmem:s13], $0x4000, $0x38;
	[tilespmem:$0x18280] =	vst v63  }
0xe5: {  	_ =	swait.ge [sflag:s25], $0x4000  }
0xe6: {  	[sflag:s25] =	ssyncset.done $0x0  }
0xe7: {  	s4 =	rddreg [dreg:$0xd];
	[sflag:s25] =	ssyncadd.s32 $0xFFFFC000  }
0xe8: {  	[hbm4b:s4+s3] =	stream.linear.scatter [tilespmem:s3], [sflag:$0x6], $0x4000, $0x38;
	[tilespmem:$0x18280] =	vst v63  }
0xe9: {  	_ =	swait.ge [sflag:s25], $0x4000  }
0xea: {  	s0 =	sadd.s32 $0x1, s0;
	s24 =	rddreg [dreg:$0xe]  }
0xeb: {  	p0 =	sne.s32 s0, s24  }
.Ltmp2:
0xec: {  	_ = 	snop;
	(pc) =	sbr.rel @p0 .LBB2_1-.Ltmp2, $3  }
0xed: {  	_ =	sdelay $0x1  }
0xee: {  	[sflag:s25] =	ssyncset.done $0x0  }
0xef: {  	[sflag:s25] =	ssyncadd.s32 $0xFFFFC000  }
0xf0: {  	_ =	sfence.sel $0x180000  }
0xf1: {  	[bflag:$0x0] =	sbarrier.arrive $0xFFFF  }
0xf2: {  	_ =	strace $0x90000047  }
0xf3: {  	s0 =	stileid.u32;
	[bflag:$0x2] =	sbarrier.arrive $0xFFFF  }
0xf4: {  	p0 =	sne.s32 s0, $0x0;
	s0 =	rddreg [dreg:$0x4]  }
0xf5: {  	s0 =	sadd.s32 @!p0 $0x100000, s0  }
0xf6: {  	[sflag:s0] =	ssyncadd.tile.s32 @!p0 $0x1;
	_ =	shalt  }
.Lfunc_end2:
_tile_overlayer_lowered:
.L_overlay_start_2:
0xf7: {  	(tag) =	ssettag $0x2  }
0xf8: {  	s0 =	rddreg [dreg:$0x0];
	s2 =	stileid.u32  }
0xf9: {  	s1 =	rddreg [dreg:$0x1];
	p0 =	sne.s32 s2, $0x0  }
0xfa: {  	s3 =	rddreg [dreg:$0x2];
	[bflag:$0x3] =	sbarrier.arrive $0xFFFF;
	s2 =	simm.s32 @!p0 $0x1C06  }
0xfb: {  	[timem:s3], [sflag:s2] =	dma.local @!p0 [hbm:s0], s1  }
0xfc: {  	s0 =	simm.s32 @!p0 $0x6  }
0xfd: {  	_ =	swait.ge @!p0 [sflag:s0], s1  }
0xfe: {  	s1 =	ssub.s32 @!p0 $0x0, s1;
	[sflag:s0] =	ssyncset.done @!p0 $0x0  }
0xff: {  	[sflag:s0] =	ssyncadd.s32 @!p0 s1  }
0x100: {  	[bflag:$0x3] =	sbarrier.arrive $0xFFFF  }
0x101: {  	_ =	shalt  }

</sc_bundles>
